<compile_context>
chip_gen: v7x
topology: tpu7x:2x2x1
jax: 0.10.2.dev20260603
libtpu: 0.0.44.dev20260713+nightly
codegen_flags: <defaults>
</compile_context>

<pallas_src>
import functools

import jax
import jax.numpy as jnp
from jax import lax
from jax.experimental import pallas as pl
from jax.experimental.pallas import tpu as pltpu
from jax.experimental.pallas import tpu_sc as plsc

_H = 128
_ROWS_PER_STREAM = 128
_STREAMS_PER_SUPER = 10


def _sc_gather(table, idx2d):
    n_chunks = idx2d.shape[0]
    e = table.shape[1]
    info = plsc.get_sparse_core_info()
    nc, ns = info.num_cores, info.num_subcores
    nw = nc * ns
    ch_per_w = n_chunks // nw
    n_super = ch_per_w // _STREAMS_PER_SUPER
    assert n_chunks % nw == 0 and ch_per_w % _STREAMS_PER_SUPER == 0

    mesh = plsc.VectorSubcoreMesh(core_axis_name="c", subcore_axis_name="s")
    rows_per_super = _STREAMS_PER_SUPER * _ROWS_PER_STREAM

    idx4d = idx2d.reshape(nw, n_super, _STREAMS_PER_SUPER, _ROWS_PER_STREAM)

    @functools.partial(
        pl.kernel,
        mesh=mesh,
        out_type=jax.ShapeDtypeStruct((n_chunks * _ROWS_PER_STREAM, e),
                                      jnp.float32),
        scratch_types=[
            pltpu.VMEM((_STREAMS_PER_SUPER, _ROWS_PER_STREAM), jnp.int32),
            pltpu.VMEM((rows_per_super, e), jnp.float32),
            pltpu.SemaphoreType.DMA,
        ],
        compiler_params=pltpu.CompilerParams(use_tc_tiling_on_sc=False),
    )
    def k(table_hbm, idx_hbm, out_hbm, idx_v, rows_v, sem):
        wid = lax.axis_index("s") * nc + lax.axis_index("c")
        base_ch = wid * ch_per_w

        def body(s, carry):
            ch0 = base_ch + s * _STREAMS_PER_SUPER
            pltpu.sync_copy(idx_hbm.at[wid, s], idx_v)
            copies = [
                pltpu.async_copy(
                    table_hbm.at[idx_v.at[j]],
                    rows_v.at[pl.ds(j * _ROWS_PER_STREAM, _ROWS_PER_STREAM)],
                    sem,
                )
                for j in range(_STREAMS_PER_SUPER)
            ]
            for cp in copies:
                cp.wait()
            pltpu.sync_copy(
                rows_v,
                out_hbm.at[pl.ds(ch0 * _ROWS_PER_STREAM, rows_per_super)],
            )
            return carry

        lax.fori_loop(0, n_super, body, 0)

    return k(table, idx4d)


def _lstm_body(x_ref, w_ref, u_ref, b_ref, wd_ref, bd_ref, o_ref,
               h_ref, c_ref, *, tt, batch):
    ti = pl.program_id(0)

    @pl.when(ti == 0)
    def _():
        h_ref[...] = jnp.zeros((batch, _H), jnp.float32)
        c_ref[...] = jnp.zeros((batch, _H), jnp.float32)

    h = h_ref[...]
    c = c_ref[...]
    for k in range(tt):
        xt = x_ref[k].astype(jnp.bfloat16)
        z = jnp.dot(xt, w_ref[...], preferred_element_type=jnp.float32)
        z = z + jnp.dot(h.astype(jnp.bfloat16), u_ref[...],
                        preferred_element_type=jnp.float32)
        z = z + b_ref[...]
        i = jax.nn.sigmoid(z[:, :_H])
        f = jax.nn.sigmoid(z[:, _H:2 * _H])
        g = jnp.tanh(z[:, 2 * _H:3 * _H])
        o = jax.nn.sigmoid(z[:, 3 * _H:])
        c = f * c + i * g
        h = o * jnp.tanh(c)
        o_ref[k, 0, :] = jax.nn.sigmoid(
            jnp.sum(h * wd_ref[...], axis=1) + bd_ref[0, 0])
    h_ref[...] = h
    c_ref[...] = c


def _lstm_fused(x, w, u, b2, wdp, bdp, tt=20):
    t, batch, e = x.shape
    grid = (t // tt,)
    out = pl.pallas_call(
        functools.partial(_lstm_body, tt=tt, batch=batch),
        grid=grid,
        in_specs=[
            pl.BlockSpec((tt, batch, e), lambda ti: (ti, 0, 0)),
            pl.BlockSpec(w.shape, lambda ti: (0, 0)),
            pl.BlockSpec(u.shape, lambda ti: (0, 0)),
            pl.BlockSpec(b2.shape, lambda ti: (0, 0)),
            pl.BlockSpec(wdp.shape, lambda ti: (0, 0)),
            pl.BlockSpec(memory_space=pltpu.SMEM),
        ],
        out_specs=pl.BlockSpec((tt, 1, batch), lambda ti: (ti, 0, 0)),
        out_shape=jax.ShapeDtypeStruct((t, 1, batch), jnp.float32),
        scratch_shapes=[
            pltpu.VMEM((batch, _H), jnp.float32),
            pltpu.VMEM((batch, _H), jnp.float32),
        ],
        compiler_params=pltpu.CompilerParams(
            dimension_semantics=("arbitrary",)),
    )(x, w, u, b2, wdp, bdp)
    return out


def kernel(reviews, emb, W, U, b, gamma, beta, moving_mean, moving_var,
           Wd, bd):
    batch, t = reviews.shape
    e = emb.shape[1]
    idx2d = jnp.transpose(reviews).reshape(-1, _ROWS_PER_STREAM)
    x = _sc_gather(emb, idx2d).reshape(t, batch, e)

    inv = gamma * lax.rsqrt(moving_var + 1e-3)
    wd0 = Wd[:, 0]
    wdp = (inv * wd0)[None, :]
    bdp = (bd[0] + jnp.sum((beta - inv * moving_mean) * wd0))[None, None]
    b2 = b[None, :]

    out = _lstm_fused(x, W.astype(jnp.bfloat16), U.astype(jnp.bfloat16),
                      b2, wdp, bdp)
    return jnp.transpose(out.reshape(t, batch), (1, 0))[..., None]

# --- scband reference (transcript-rebuilt; emitter-appended) ---
"""Pipeline reference for scband-lstm-20392504721797 (READ-ONLY COPY).

The authoritative reference and input builder live on the scoring server;
editing this copy changes nothing except your own understanding.
"""

import jax, jax.numpy as jnp
import numpy as np

B, T, V, E, H = 1024, 200, 1000000, 64, 128

def setup_inputs(seed: int = 0) -> dict:
    key = jax.random.key(seed)
    ks = jax.random.split(key, 8)
    reviews = jax.random.randint(ks[0], (B, T), 0, V, dtype=jnp.int32)
    emb = jax.random.normal(ks[1], (V, E), dtype=jnp.float32) * 0.05
    W = jax.random.normal(ks[2], (E, 4 * H), dtype=jnp.float32) * 0.05
    U = jax.random.normal(ks[3], (H, 4 * H), dtype=jnp.float32) * 0.05
    b = jnp.zeros((4 * H,), dtype=jnp.float32)
    gamma = jnp.ones((H,), dtype=jnp.float32)
    beta = jnp.zeros((H,), dtype=jnp.float32)
    moving_mean = jnp.zeros((H,), dtype=jnp.float32)
    moving_var = jnp.ones((H,), dtype=jnp.float32)
    Wd = jax.random.normal(ks[4], (H, 1), dtype=jnp.float32) * 0.05
    bd = jnp.zeros((1,), dtype=jnp.float32)
    return {"reviews": reviews, "emb": emb, "W": W, "U": U, "b": b,
            "gamma": gamma, "beta": beta, "moving_mean": moving_mean,
            "moving_var": moving_var, "Wd": Wd, "bd": bd}

def reference(reviews, emb, W, U, b, gamma, beta, moving_mean, moving_var, Wd, bd):
    # Embedding lookup
    x = jnp.take(emb, reviews, axis=0)  # [B, T, E]
    xs = jnp.transpose(x, (1, 0, 2))    # [T, B, E]
    h0 = jnp.zeros((x.shape[0], H), dtype=x.dtype)
    c0 = jnp.zeros((x.shape[0], H), dtype=x.dtype)

    def step(carry, xt):
        h, c = carry
        z = xt @ W + h @ U + b  # [B, 4H], Keras gate order: i, f, g(c), o
        i = jax.nn.sigmoid(z[:, :H])
        f = jax.nn.sigmoid(z[:, H:2 * H])
        g = jnp.tanh(z[:, 2 * H:3 * H])
        o = jax.nn.sigmoid(z[:, 3 * H:])
        c_new = f * c + i * g
        h_new = o * jnp.tanh(c_new)
        return (h_new, c_new), h_new

    (_, _), hs = jax.lax.scan(step, (h0, c0), xs)
    seq = jnp.transpose(hs, (1, 0, 2))  # [B, T, H] (return_sequences output, lstm_out[0])
    # BatchNorm in inference mode (training=False): moving stats, eps=1e-3 (Keras default)
    bn = gamma * (seq - moving_mean) / jnp.sqrt(moving_var + 1e-3) + beta
    # Dropout is identity in inference mode
    out = jax.nn.sigmoid(bn @ Wd + bd)  # [B, T, 1]
    return out

if __name__ == "__main__":
    import jax
    _d = setup_inputs()
    print(jax.jit(kernel)(*tuple(_d.values())))

</pallas_src>

<mosaic_0001>
#map = affine_map<(d0, d1) -> (0, 0)>
#map1 = affine_map<(d0, d1) -> (0, 0, 0, 0)>
module attributes {stable_mosaic.version = 14 : i64} {
  func.func @k(%arg0: i32, %arg1: i32, %arg2: memref<1000000x64xf32, #tpu.memory_space<hbm>>, %arg3: memref<32x5x10x128xi32, #tpu.memory_space<hbm>>, %arg4: memref<204800x64xf32, #tpu.memory_space<hbm>>, %arg5: memref<10x128xi32, #tpu.memory_space<vmem>>, %arg6: memref<1280x64xf32, #tpu.memory_space<vmem>>, %arg7: memref<!tpu.dma_semaphore, #tpu.memory_space<semaphore_mem>>) attributes {dimension_semantics = [#tpu.dimension_semantics<core_parallel>, #tpu.dimension_semantics<subcore_parallel>], iteration_bounds = array<i64: 2, 16>, scalar_prefetch = 0 : i64, scratch_operands = 3 : i64, tpu.core_type = #tpu.core_type<sc_vector_subcore>, window_params = [{transform_indices = #map}, {transform_indices = #map1}, {transform_indices = #map}]} {
    %mul3A = arith.constant 2 : i32
    %mul3A_0 = arith.muli %arg1, %mul3A : i32
    %add3A = arith.addi %mul3A_0, %arg0 : i32
    %mul3A_1 = arith.constant 50 : i32
    %mul3A_2 = arith.muli %add3A, %mul3A_1 : i32
    %scan3A = arith.constant 0 : i32
    %scan3A_3 = arith.constant 0 : i32
    %scan3A_4 = arith.constant 5 : i32
    %scan3A_5 = arith.addi %scan3A_3, %scan3A_4 : i32
    %scan3A_6 = arith.constant 1 : i32
    scf.for %scan3A_8 = %scan3A_3 to %scan3A_5 step %scan3A_6  : i32 {
      %mul3A_9 = arith.constant 10 : i32
      %mul3A_10 = arith.muli %scan3A_8, %mul3A_9 : i32
      %add3A_11 = arith.addi %mul3A_2, %mul3A_10 : i32
      "tpu.region"() ({
        %run_scoped3A = tpu.sem_alloc : memref<!tpu.dma_semaphore, #tpu.memory_space<semaphore_mem>>
        %dma_start3A_212 = arith.constant 0 : i32
        %dma_start3A_213 = arith.constant 0 : i32
        %dma_start3A_214 = tpu.memref_slice %arg3[%add3A, %scan3A_8, %dma_start3A_212, %dma_start3A_213] : memref<32x5x10x128xi32, #tpu.memory_space<hbm>> -> memref<1x1x10x128xi32, #tpu.memory_space<hbm>>
        %dma_start3A_215 = tpu.memref_squeeze %dma_start3A_214 : memref<1x1x10x128xi32, #tpu.memory_space<hbm>> -> memref<10x128xi32, #tpu.memory_space<hbm>>
        %dma_start3A_216 = arith.constant 0 : i32
        %dma_start3A_217 = arith.constant 0 : i32
        %dma_start3A_218 = tpu.memref_slice %arg3[%add3A, %scan3A_8, %dma_start3A_216, %dma_start3A_217] : memref<32x5x10x128xi32, #tpu.memory_space<hbm>> -> memref<1x1x10x128xi32, #tpu.memory_space<hbm>>
        %dma_start3A_219 = tpu.memref_squeeze %dma_start3A_218 : memref<1x1x10x128xi32, #tpu.memory_space<hbm>> -> memref<10x128xi32, #tpu.memory_space<hbm>>
        tpu.enqueue_dma source(%dma_start3A_219 : memref<10x128xi32, #tpu.memory_space<hbm>>) target(%arg5 : memref<10x128xi32, #tpu.memory_space<vmem>>) target_semaphore(%run_scoped3A : memref<!tpu.dma_semaphore, #tpu.memory_space<semaphore_mem>>)
        %dma_wait3A_220 = arith.constant 0 : i32
        %dma_wait3A_221 = arith.constant 0 : i32
        %dma_wait3A_222 = tpu.memref_slice %arg3[%add3A, %scan3A_8, %dma_wait3A_220, %dma_wait3A_221] : memref<32x5x10x128xi32, #tpu.memory_space<hbm>> -> memref<1x1x10x128xi32, #tpu.memory_space<hbm>>
        %dma_wait3A_223 = tpu.memref_squeeze %dma_wait3A_222 : memref<1x1x10x128xi32, #tpu.memory_space<hbm>> -> memref<10x128xi32, #tpu.memory_space<hbm>>
        %dma_wait3A_224 = arith.constant 0 : i32
        %dma_wait3A_225 = arith.constant 0 : i32
        %dma_wait3A_226 = tpu.memref_slice %arg3[%add3A, %scan3A_8, %dma_wait3A_224, %dma_wait3A_225] : memref<32x5x10x128xi32, #tpu.memory_space<hbm>> -> memref<1x1x10x128xi32, #tpu.memory_space<hbm>>
        %dma_wait3A_227 = tpu.memref_squeeze %dma_wait3A_226 : memref<1x1x10x128xi32, #tpu.memory_space<hbm>> -> memref<10x128xi32, #tpu.memory_space<hbm>>
        tpu.wait_dma2 semaphore(%run_scoped3A : memref<!tpu.dma_semaphore, #tpu.memory_space<semaphore_mem>>) src(%dma_wait3A_227 : memref<10x128xi32, #tpu.memory_space<hbm>>) dst(%arg5 : memref<10x128xi32, #tpu.memory_space<vmem>>)
        tpu.yield
      }) : () -> ()
      %dma_start3A = arith.constant 0 : i32
      %dma_start3A_12 = arith.constant 0 : i32
      %dma_start3A_13 = arith.constant 0 : i32
      %dma_start3A_14 = tpu.memref_slice %arg6[%dma_start3A_12, %dma_start3A_13] : memref<1280x64xf32, #tpu.memory_space<vmem>> -> memref<128x64xf32, #tpu.memory_space<vmem>>
      %dma_start3A_15 = arith.constant 0 : i32
      %dma_start3A_16 = tpu.memref_slice %arg5[%dma_start3A, %dma_start3A_15] : memref<10x128xi32, #tpu.memory_space<vmem>> -> memref<1x128xi32, #tpu.memory_space<vmem>>
      %dma_start3A_17 = tpu.memref_squeeze %dma_start3A_16 : memref<1x128xi32, #tpu.memory_space<vmem>> -> memref<128xi32, #tpu.memory_space<vmem>>
      %dma_start3A_18 = arith.constant 0 : i32
      %dma_start3A_19 = arith.constant 0 : i32
      %dma_start3A_20 = tpu.memref_slice %arg2[%dma_start3A_18, %dma_start3A_19] : memref<1000000x64xf32, #tpu.memory_space<hbm>> -> memref<1000000x64xf32, #tpu.memory_space<hbm>>
      tpu.enqueue_indirect_dma source(%dma_start3A_20 : memref<1000000x64xf32, #tpu.memory_space<hbm>>) target(%dma_start3A_14 : memref<128x64xf32, #tpu.memory_space<vmem>>) offsets(%dma_start3A_17 : memref<128xi32, #tpu.memory_space<vmem>>) semaphore(%arg7 : memref<!tpu.dma_semaphore, #tpu.memory_space<semaphore_mem>>)
      %dma_start3A_21 = arith.constant 1 : i32
      %dma_start3A_22 = arith.constant 128 : i32
      %dma_start3A_23 = arith.constant 0 : i32
      %dma_start3A_24 = tpu.memref_slice %arg6[%dma_start3A_22, %dma_start3A_23] : memref<1280x64xf32, #tpu.memory_space<vmem>> -> memref<128x64xf32, #tpu.memory_space<vmem>>
      %dma_start3A_25 = arith.constant 0 : i32
      %dma_start3A_26 = tpu.memref_slice %arg5[%dma_start3A_21, %dma_start3A_25] : memref<10x128xi32, #tpu.memory_space<vmem>> -> memref<1x128xi32, #tpu.memory_space<vmem>>
      %dma_start3A_27 = tpu.memref_squeeze %dma_start3A_26 : memref<1x128xi32, #tpu.memory_space<vmem>> -> memref<128xi32, #tpu.memory_space<vmem>>
      %dma_start3A_28 = arith.constant 0 : i32
      %dma_start3A_29 = arith.constant 0 : i32
      %dma_start3A_30 = tpu.memref_slice %arg2[%dma_start3A_28, %dma_start3A_29] : memref<1000000x64xf32, #tpu.memory_space<hbm>> -> memref<1000000x64xf32, #tpu.memory_space<hbm>>
      tpu.enqueue_indirect_dma source(%dma_start3A_30 : memref<1000000x64xf32, #tpu.memory_space<hbm>>) target(%dma_start3A_24 : memref<128x64xf32, #tpu.memory_space<vmem>>) offsets(%dma_start3A_27 : memref<128xi32, #tpu.memory_space<vmem>>) semaphore(%arg7 : memref<!tpu.dma_semaphore, #tpu.memory_space<semaphore_mem>>)
      %dma_start3A_31 = arith.constant 2 : i32
      %dma_start3A_32 = arith.constant 256 : i32
      %dma_start3A_33 = arith.constant 0 : i32
      %dma_start3A_34 = tpu.memref_slice %arg6[%dma_start3A_32, %dma_start3A_33] : memref<1280x64xf32, #tpu.memory_space<vmem>> -> memref<128x64xf32, #tpu.memory_space<vmem>>
      %dma_start3A_35 = arith.constant 0 : i32
      %dma_start3A_36 = tpu.memref_slice %arg5[%dma_start3A_31, %dma_start3A_35] : memref<10x128xi32, #tpu.memory_space<vmem>> -> memref<1x128xi32, #tpu.memory_space<vmem>>
      %dma_start3A_37 = tpu.memref_squeeze %dma_start3A_36 : memref<1x128xi32, #tpu.memory_space<vmem>> -> memref<128xi32, #tpu.memory_space<vmem>>
      %dma_start3A_38 = arith.constant 0 : i32
      %dma_start3A_39 = arith.constant 0 : i32
      %dma_start3A_40 = tpu.memref_slice %arg2[%dma_start3A_38, %dma_start3A_39] : memref<1000000x64xf32, #tpu.memory_space<hbm>> -> memref<1000000x64xf32, #tpu.memory_space<hbm>>
      tpu.enqueue_indirect_dma source(%dma_start3A_40 : memref<1000000x64xf32, #tpu.memory_space<hbm>>) target(%dma_start3A_34 : memref<128x64xf32, #tpu.memory_space<vmem>>) offsets(%dma_start3A_37 : memref<128xi32, #tpu.memory_space<vmem>>) semaphore(%arg7 : memref<!tpu.dma_semaphore, #tpu.memory_space<semaphore_mem>>)
      %dma_start3A_41 = arith.constant 3 : i32
      %dma_start3A_42 = arith.constant 384 : i32
      %dma_start3A_43 = arith.constant 0 : i32
      %dma_start3A_44 = tpu.memref_slice %arg6[%dma_start3A_42, %dma_start3A_43] : memref<1280x64xf32, #tpu.memory_space<vmem>> -> memref<128x64xf32, #tpu.memory_space<vmem>>
      %dma_start3A_45 = arith.constant 0 : i32
      %dma_start3A_46 = tpu.memref_slice %arg5[%dma_start3A_41, %dma_start3A_45] : memref<10x128xi32, #tpu.memory_space<vmem>> -> memref<1x128xi32, #tpu.memory_space<vmem>>
      %dma_start3A_47 = tpu.memref_squeeze %dma_start3A_46 : memref<1x128xi32, #tpu.memory_space<vmem>> -> memref<128xi32, #tpu.memory_space<vmem>>
      %dma_start3A_48 = arith.constant 0 : i32
      %dma_start3A_49 = arith.constant 0 : i32
      %dma_start3A_50 = tpu.memref_slice %arg2[%dma_start3A_48, %dma_start3A_49] : memref<1000000x64xf32, #tpu.memory_space<hbm>> -> memref<1000000x64xf32, #tpu.memory_space<hbm>>
      tpu.enqueue_indirect_dma source(%dma_start3A_50 : memref<1000000x64xf32, #tpu.memory_space<hbm>>) target(%dma_start3A_44 : memref<128x64xf32, #tpu.memory_space<vmem>>) offsets(%dma_start3A_47 : memref<128xi32, #tpu.memory_space<vmem>>) semaphore(%arg7 : memref<!tpu.dma_semaphore, #tpu.memory_space<semaphore_mem>>)
      %dma_start3A_51 = arith.constant 4 : i32
      %dma_start3A_52 = arith.constant 512 : i32
      %dma_start3A_53 = arith.constant 0 : i32
      %dma_start3A_54 = tpu.memref_slice %arg6[%dma_start3A_52, %dma_start3A_53] : memref<1280x64xf32, #tpu.memory_space<vmem>> -> memref<128x64xf32, #tpu.memory_space<vmem>>
      %dma_start3A_55 = arith.constant 0 : i32
      %dma_start3A_56 = tpu.memref_slice %arg5[%dma_start3A_51, %dma_start3A_55] : memref<10x128xi32, #tpu.memory_space<vmem>> -> memref<1x128xi32, #tpu.memory_space<vmem>>
      %dma_start3A_57 = tpu.memref_squeeze %dma_start3A_56 : memref<1x128xi32, #tpu.memory_space<vmem>> -> memref<128xi32, #tpu.memory_space<vmem>>
      %dma_start3A_58 = arith.constant 0 : i32
      %dma_start3A_59 = arith.constant 0 : i32
      %dma_start3A_60 = tpu.memref_slice %arg2[%dma_start3A_58, %dma_start3A_59] : memref<1000000x64xf32, #tpu.memory_space<hbm>> -> memref<1000000x64xf32, #tpu.memory_space<hbm>>
      tpu.enqueue_indirect_dma source(%dma_start3A_60 : memref<1000000x64xf32, #tpu.memory_space<hbm>>) target(%dma_start3A_54 : memref<128x64xf32, #tpu.memory_space<vmem>>) offsets(%dma_start3A_57 : memref<128xi32, #tpu.memory_space<vmem>>) semaphore(%arg7 : memref<!tpu.dma_semaphore, #tpu.memory_space<semaphore_mem>>)
      %dma_start3A_61 = arith.constant 5 : i32
      %dma_start3A_62 = arith.constant 640 : i32
      %dma_start3A_63 = arith.constant 0 : i32
      %dma_start3A_64 = tpu.memref_slice %arg6[%dma_start3A_62, %dma_start3A_63] : memref<1280x64xf32, #tpu.memory_space<vmem>> -> memref<128x64xf32, #tpu.memory_space<vmem>>
      %dma_start3A_65 = arith.constant 0 : i32
      %dma_start3A_66 = tpu.memref_slice %arg5[%dma_start3A_61, %dma_start3A_65] : memref<10x128xi32, #tpu.memory_space<vmem>> -> memref<1x128xi32, #tpu.memory_space<vmem>>
      %dma_start3A_67 = tpu.memref_squeeze %dma_start3A_66 : memref<1x128xi32, #tpu.memory_space<vmem>> -> memref<128xi32, #tpu.memory_space<vmem>>
      %dma_start3A_68 = arith.constant 0 : i32
      %dma_start3A_69 = arith.constant 0 : i32
      %dma_start3A_70 = tpu.memref_slice %arg2[%dma_start3A_68, %dma_start3A_69] : memref<1000000x64xf32, #tpu.memory_space<hbm>> -> memref<1000000x64xf32, #tpu.memory_space<hbm>>
      tpu.enqueue_indirect_dma source(%dma_start3A_70 : memref<1000000x64xf32, #tpu.memory_space<hbm>>) target(%dma_start3A_64 : memref<128x64xf32, #tpu.memory_space<vmem>>) offsets(%dma_start3A_67 : memref<128xi32, #tpu.memory_space<vmem>>) semaphore(%arg7 : memref<!tpu.dma_semaphore, #tpu.memory_space<semaphore_mem>>)
      %dma_start3A_71 = arith.constant 6 : i32
      %dma_start3A_72 = arith.constant 768 : i32
      %dma_start3A_73 = arith.constant 0 : i32
      %dma_start3A_74 = tpu.memref_slice %arg6[%dma_start3A_72, %dma_start3A_73] : memref<1280x64xf32, #tpu.memory_space<vmem>> -> memref<128x64xf32, #tpu.memory_space<vmem>>
      %dma_start3A_75 = arith.constant 0 : i32
      %dma_start3A_76 = tpu.memref_slice %arg5[%dma_start3A_71, %dma_start3A_75] : memref<10x128xi32, #tpu.memory_space<vmem>> -> memref<1x128xi32, #tpu.memory_space<vmem>>
      %dma_start3A_77 = tpu.memref_squeeze %dma_start3A_76 : memref<1x128xi32, #tpu.memory_space<vmem>> -> memref<128xi32, #tpu.memory_space<vmem>>
      %dma_start3A_78 = arith.constant 0 : i32
      %dma_start3A_79 = arith.constant 0 : i32
      %dma_start3A_80 = tpu.memref_slice %arg2[%dma_start3A_78, %dma_start3A_79] : memref<1000000x64xf32, #tpu.memory_space<hbm>> -> memref<1000000x64xf32, #tpu.memory_space<hbm>>
      tpu.enqueue_indirect_dma source(%dma_start3A_80 : memref<1000000x64xf32, #tpu.memory_space<hbm>>) target(%dma_start3A_74 : memref<128x64xf32, #tpu.memory_space<vmem>>) offsets(%dma_start3A_77 : memref<128xi32, #tpu.memory_space<vmem>>) semaphore(%arg7 : memref<!tpu.dma_semaphore, #tpu.memory_space<semaphore_mem>>)
      %dma_start3A_81 = arith.constant 7 : i32
      %dma_start3A_82 = arith.constant 896 : i32
      %dma_start3A_83 = arith.constant 0 : i32
      %dma_start3A_84 = tpu.memref_slice %arg6[%dma_start3A_82, %dma_start3A_83] : memref<1280x64xf32, #tpu.memory_space<vmem>> -> memref<128x64xf32, #tpu.memory_space<vmem>>
      %dma_start3A_85 = arith.constant 0 : i32
      %dma_start3A_86 = tpu.memref_slice %arg5[%dma_start3A_81, %dma_start3A_85] : memref<10x128xi32, #tpu.memory_space<vmem>> -> memref<1x128xi32, #tpu.memory_space<vmem>>
      %dma_start3A_87 = tpu.memref_squeeze %dma_start3A_86 : memref<1x128xi32, #tpu.memory_space<vmem>> -> memref<128xi32, #tpu.memory_space<vmem>>
      %dma_start3A_88 = arith.constant 0 : i32
      %dma_start3A_89 = arith.constant 0 : i32
      %dma_start3A_90 = tpu.memref_slice %arg2[%dma_start3A_88, %dma_start3A_89] : memref<1000000x64xf32, #tpu.memory_space<hbm>> -> memref<1000000x64xf32, #tpu.memory_space<hbm>>
      tpu.enqueue_indirect_dma source(%dma_start3A_90 : memref<1000000x64xf32, #tpu.memory_space<hbm>>) target(%dma_start3A_84 : memref<128x64xf32, #tpu.memory_space<vmem>>) offsets(%dma_start3A_87 : memref<128xi32, #tpu.memory_space<vmem>>) semaphore(%arg7 : memref<!tpu.dma_semaphore, #tpu.memory_space<semaphore_mem>>)
      %dma_start3A_91 = arith.constant 8 : i32
      %dma_start3A_92 = arith.constant 1024 : i32
      %dma_start3A_93 = arith.constant 0 : i32
      %dma_start3A_94 = tpu.memref_slice %arg6[%dma_start3A_92, %dma_start3A_93] : memref<1280x64xf32, #tpu.memory_space<vmem>> -> memref<128x64xf32, #tpu.memory_space<vmem>>
      %dma_start3A_95 = arith.constant 0 : i32
      %dma_start3A_96 = tpu.memref_slice %arg5[%dma_start3A_91, %dma_start3A_95] : memref<10x128xi32, #tpu.memory_space<vmem>> -> memref<1x128xi32, #tpu.memory_space<vmem>>
      %dma_start3A_97 = tpu.memref_squeeze %dma_start3A_96 : memref<1x128xi32, #tpu.memory_space<vmem>> -> memref<128xi32, #tpu.memory_space<vmem>>
      %dma_start3A_98 = arith.constant 0 : i32
      %dma_start3A_99 = arith.constant 0 : i32
      %dma_start3A_100 = tpu.memref_slice %arg2[%dma_start3A_98, %dma_start3A_99] : memref<1000000x64xf32, #tpu.memory_space<hbm>> -> memref<1000000x64xf32, #tpu.memory_space<hbm>>
      tpu.enqueue_indirect_dma source(%dma_start3A_100 : memref<1000000x64xf32, #tpu.memory_space<hbm>>) target(%dma_start3A_94 : memref<128x64xf32, #tpu.memory_space<vmem>>) offsets(%dma_start3A_97 : memref<128xi32, #tpu.memory_space<vmem>>) semaphore(%arg7 : memref<!tpu.dma_semaphore, #tpu.memory_space<semaphore_mem>>)
      %dma_start3A_101 = arith.constant 9 : i32
      %dma_start3A_102 = arith.constant 1152 : i32
      %dma_start3A_103 = arith.constant 0 : i32
      %dma_start3A_104 = tpu.memref_slice %arg6[%dma_start3A_102, %dma_start3A_103] : memref<1280x64xf32, #tpu.memory_space<vmem>> -> memref<128x64xf32, #tpu.memory_space<vmem>>
      %dma_start3A_105 = arith.constant 0 : i32
      %dma_start3A_106 = tpu.memref_slice %arg5[%dma_start3A_101, %dma_start3A_105] : memref<10x128xi32, #tpu.memory_space<vmem>> -> memref<1x128xi32, #tpu.memory_space<vmem>>
      %dma_start3A_107 = tpu.memref_squeeze %dma_start3A_106 : memref<1x128xi32, #tpu.memory_space<vmem>> -> memref<128xi32, #tpu.memory_space<vmem>>
      %dma_start3A_108 = arith.constant 0 : i32
      %dma_start3A_109 = arith.constant 0 : i32
      %dma_start3A_110 = tpu.memref_slice %arg2[%dma_start3A_108, %dma_start3A_109] : memref<1000000x64xf32, #tpu.memory_space<hbm>> -> memref<1000000x64xf32, #tpu.memory_space<hbm>>
      tpu.enqueue_indirect_dma source(%dma_start3A_110 : memref<1000000x64xf32, #tpu.memory_space<hbm>>) target(%dma_start3A_104 : memref<128x64xf32, #tpu.memory_space<vmem>>) offsets(%dma_start3A_107 : memref<128xi32, #tpu.memory_space<vmem>>) semaphore(%arg7 : memref<!tpu.dma_semaphore, #tpu.memory_space<semaphore_mem>>)
      %dma_wait3A = arith.constant 0 : i32
      %dma_wait3A_111 = arith.constant 0 : i32
      %dma_wait3A_112 = arith.constant 0 : i32
      %dma_wait3A_113 = tpu.memref_slice %arg6[%dma_wait3A_111, %dma_wait3A_112] : memref<1280x64xf32, #tpu.memory_space<vmem>> -> memref<128x64xf32, #tpu.memory_space<vmem>>
      %dma_wait3A_114 = arith.constant 0 : i32
      %dma_wait3A_115 = tpu.memref_slice %arg5[%dma_wait3A, %dma_wait3A_114] : memref<10x128xi32, #tpu.memory_space<vmem>> -> memref<1x128xi32, #tpu.memory_space<vmem>>
      %dma_wait3A_116 = tpu.memref_squeeze %dma_wait3A_115 : memref<1x128xi32, #tpu.memory_space<vmem>> -> memref<128xi32, #tpu.memory_space<vmem>>
      %dma_wait3A_117 = arith.constant 0 : i32
      %dma_wait3A_118 = arith.constant 0 : i32
      %dma_wait3A_119 = tpu.memref_slice %arg2[%dma_wait3A_117, %dma_wait3A_118] : memref<1000000x64xf32, #tpu.memory_space<hbm>> -> memref<1000000x64xf32, #tpu.memory_space<hbm>>
      tpu.wait_indirect_dma semaphore(%arg7 : memref<!tpu.dma_semaphore, #tpu.memory_space<semaphore_mem>>) src(%dma_wait3A_119 : memref<1000000x64xf32, #tpu.memory_space<hbm>>) dst(%dma_wait3A_113 : memref<128x64xf32, #tpu.memory_space<vmem>>)
      %dma_wait3A_120 = arith.constant 1 : i32
      %dma_wait3A_121 = arith.constant 128 : i32
      %dma_wait3A_122 = arith.constant 0 : i32
      %dma_wait3A_123 = tpu.memref_slice %arg6[%dma_wait3A_121, %dma_wait3A_122] : memref<1280x64xf32, #tpu.memory_space<vmem>> -> memref<128x64xf32, #tpu.memory_space<vmem>>
      %dma_wait3A_124 = arith.constant 0 : i32
      %dma_wait3A_125 = tpu.memref_slice %arg5[%dma_wait3A_120, %dma_wait3A_124] : memref<10x128xi32, #tpu.memory_space<vmem>> -> memref<1x128xi32, #tpu.memory_space<vmem>>
      %dma_wait3A_126 = tpu.memref_squeeze %dma_wait3A_125 : memref<1x128xi32, #tpu.memory_space<vmem>> -> memref<128xi32, #tpu.memory_space<vmem>>
      %dma_wait3A_127 = arith.constant 0 : i32
      %dma_wait3A_128 = arith.constant 0 : i32
      %dma_wait3A_129 = tpu.memref_slice %arg2[%dma_wait3A_127, %dma_wait3A_128] : memref<1000000x64xf32, #tpu.memory_space<hbm>> -> memref<1000000x64xf32, #tpu.memory_space<hbm>>
      tpu.wait_indirect_dma semaphore(%arg7 : memref<!tpu.dma_semaphore, #tpu.memory_space<semaphore_mem>>) src(%dma_wait3A_129 : memref<1000000x64xf32, #tpu.memory_space<hbm>>) dst(%dma_wait3A_123 : memref<128x64xf32, #tpu.memory_space<vmem>>)
      %dma_wait3A_130 = arith.constant 2 : i32
      %dma_wait3A_131 = arith.constant 256 : i32
      %dma_wait3A_132 = arith.constant 0 : i32
      %dma_wait3A_133 = tpu.memref_slice %arg6[%dma_wait3A_131, %dma_wait3A_132] : memref<1280x64xf32, #tpu.memory_space<vmem>> -> memref<128x64xf32, #tpu.memory_space<vmem>>
      %dma_wait3A_134 = arith.constant 0 : i32
      %dma_wait3A_135 = tpu.memref_slice %arg5[%dma_wait3A_130, %dma_wait3A_134] : memref<10x128xi32, #tpu.memory_space<vmem>> -> memref<1x128xi32, #tpu.memory_space<vmem>>
      %dma_wait3A_136 = tpu.memref_squeeze %dma_wait3A_135 : memref<1x128xi32, #tpu.memory_space<vmem>> -> memref<128xi32, #tpu.memory_space<vmem>>
      %dma_wait3A_137 = arith.constant 0 : i32
      %dma_wait3A_138 = arith.constant 0 : i32
      %dma_wait3A_139 = tpu.memref_slice %arg2[%dma_wait3A_137, %dma_wait3A_138] : memref<1000000x64xf32, #tpu.memory_space<hbm>> -> memref<1000000x64xf32, #tpu.memory_space<hbm>>
      tpu.wait_indirect_dma semaphore(%arg7 : memref<!tpu.dma_semaphore, #tpu.memory_space<semaphore_mem>>) src(%dma_wait3A_139 : memref<1000000x64xf32, #tpu.memory_space<hbm>>) dst(%dma_wait3A_133 : memref<128x64xf32, #tpu.memory_space<vmem>>)
      %dma_wait3A_140 = arith.constant 3 : i32
      %dma_wait3A_141 = arith.constant 384 : i32
      %dma_wait3A_142 = arith.constant 0 : i32
      %dma_wait3A_143 = tpu.memref_slice %arg6[%dma_wait3A_141, %dma_wait3A_142] : memref<1280x64xf32, #tpu.memory_space<vmem>> -> memref<128x64xf32, #tpu.memory_space<vmem>>
      %dma_wait3A_144 = arith.constant 0 : i32
      %dma_wait3A_145 = tpu.memref_slice %arg5[%dma_wait3A_140, %dma_wait3A_144] : memref<10x128xi32, #tpu.memory_space<vmem>> -> memref<1x128xi32, #tpu.memory_space<vmem>>
      %dma_wait3A_146 = tpu.memref_squeeze %dma_wait3A_145 : memref<1x128xi32, #tpu.memory_space<vmem>> -> memref<128xi32, #tpu.memory_space<vmem>>
      %dma_wait3A_147 = arith.constant 0 : i32
      %dma_wait3A_148 = arith.constant 0 : i32
      %dma_wait3A_149 = tpu.memref_slice %arg2[%dma_wait3A_147, %dma_wait3A_148] : memref<1000000x64xf32, #tpu.memory_space<hbm>> -> memref<1000000x64xf32, #tpu.memory_space<hbm>>
      tpu.wait_indirect_dma semaphore(%arg7 : memref<!tpu.dma_semaphore, #tpu.memory_space<semaphore_mem>>) src(%dma_wait3A_149 : memref<1000000x64xf32, #tpu.memory_space<hbm>>) dst(%dma_wait3A_143 : memref<128x64xf32, #tpu.memory_space<vmem>>)
      %dma_wait3A_150 = arith.constant 4 : i32
      %dma_wait3A_151 = arith.constant 512 : i32
      %dma_wait3A_152 = arith.constant 0 : i32
      %dma_wait3A_153 = tpu.memref_slice %arg6[%dma_wait3A_151, %dma_wait3A_152] : memref<1280x64xf32, #tpu.memory_space<vmem>> -> memref<128x64xf32, #tpu.memory_space<vmem>>
      %dma_wait3A_154 = arith.constant 0 : i32
      %dma_wait3A_155 = tpu.memref_slice %arg5[%dma_wait3A_150, %dma_wait3A_154] : memref<10x128xi32, #tpu.memory_space<vmem>> -> memref<1x128xi32, #tpu.memory_space<vmem>>
      %dma_wait3A_156 = tpu.memref_squeeze %dma_wait3A_155 : memref<1x128xi32, #tpu.memory_space<vmem>> -> memref<128xi32, #tpu.memory_space<vmem>>
      %dma_wait3A_157 = arith.constant 0 : i32
      %dma_wait3A_158 = arith.constant 0 : i32
      %dma_wait3A_159 = tpu.memref_slice %arg2[%dma_wait3A_157, %dma_wait3A_158] : memref<1000000x64xf32, #tpu.memory_space<hbm>> -> memref<1000000x64xf32, #tpu.memory_space<hbm>>
      tpu.wait_indirect_dma semaphore(%arg7 : memref<!tpu.dma_semaphore, #tpu.memory_space<semaphore_mem>>) src(%dma_wait3A_159 : memref<1000000x64xf32, #tpu.memory_space<hbm>>) dst(%dma_wait3A_153 : memref<128x64xf32, #tpu.memory_space<vmem>>)
      %dma_wait3A_160 = arith.constant 5 : i32
      %dma_wait3A_161 = arith.constant 640 : i32
      %dma_wait3A_162 = arith.constant 0 : i32
      %dma_wait3A_163 = tpu.memref_slice %arg6[%dma_wait3A_161, %dma_wait3A_162] : memref<1280x64xf32, #tpu.memory_space<vmem>> -> memref<128x64xf32, #tpu.memory_space<vmem>>
      %dma_wait3A_164 = arith.constant 0 : i32
      %dma_wait3A_165 = tpu.memref_slice %arg5[%dma_wait3A_160, %dma_wait3A_164] : memref<10x128xi32, #tpu.memory_space<vmem>> -> memref<1x128xi32, #tpu.memory_space<vmem>>
      %dma_wait3A_166 = tpu.memref_squeeze %dma_wait3A_165 : memref<1x128xi32, #tpu.memory_space<vmem>> -> memref<128xi32, #tpu.memory_space<vmem>>
      %dma_wait3A_167 = arith.constant 0 : i32
      %dma_wait3A_168 = arith.constant 0 : i32
      %dma_wait3A_169 = tpu.memref_slice %arg2[%dma_wait3A_167, %dma_wait3A_168] : memref<1000000x64xf32, #tpu.memory_space<hbm>> -> memref<1000000x64xf32, #tpu.memory_space<hbm>>
      tpu.wait_indirect_dma semaphore(%arg7 : memref<!tpu.dma_semaphore, #tpu.memory_space<semaphore_mem>>) src(%dma_wait3A_169 : memref<1000000x64xf32, #tpu.memory_space<hbm>>) dst(%dma_wait3A_163 : memref<128x64xf32, #tpu.memory_space<vmem>>)
      %dma_wait3A_170 = arith.constant 6 : i32
      %dma_wait3A_171 = arith.constant 768 : i32
      %dma_wait3A_172 = arith.constant 0 : i32
      %dma_wait3A_173 = tpu.memref_slice %arg6[%dma_wait3A_171, %dma_wait3A_172] : memref<1280x64xf32, #tpu.memory_space<vmem>> -> memref<128x64xf32, #tpu.memory_space<vmem>>
      %dma_wait3A_174 = arith.constant 0 : i32
      %dma_wait3A_175 = tpu.memref_slice %arg5[%dma_wait3A_170, %dma_wait3A_174] : memref<10x128xi32, #tpu.memory_space<vmem>> -> memref<1x128xi32, #tpu.memory_space<vmem>>
      %dma_wait3A_176 = tpu.memref_squeeze %dma_wait3A_175 : memref<1x128xi32, #tpu.memory_space<vmem>> -> memref<128xi32, #tpu.memory_space<vmem>>
      %dma_wait3A_177 = arith.constant 0 : i32
      %dma_wait3A_178 = arith.constant 0 : i32
      %dma_wait3A_179 = tpu.memref_slice %arg2[%dma_wait3A_177, %dma_wait3A_178] : memref<1000000x64xf32, #tpu.memory_space<hbm>> -> memref<1000000x64xf32, #tpu.memory_space<hbm>>
      tpu.wait_indirect_dma semaphore(%arg7 : memref<!tpu.dma_semaphore, #tpu.memory_space<semaphore_mem>>) src(%dma_wait3A_179 : memref<1000000x64xf32, #tpu.memory_space<hbm>>) dst(%dma_wait3A_173 : memref<128x64xf32, #tpu.memory_space<vmem>>)
      %dma_wait3A_180 = arith.constant 7 : i32
      %dma_wait3A_181 = arith.constant 896 : i32
      %dma_wait3A_182 = arith.constant 0 : i32
      %dma_wait3A_183 = tpu.memref_slice %arg6[%dma_wait3A_181, %dma_wait3A_182] : memref<1280x64xf32, #tpu.memory_space<vmem>> -> memref<128x64xf32, #tpu.memory_space<vmem>>
      %dma_wait3A_184 = arith.constant 0 : i32
      %dma_wait3A_185 = tpu.memref_slice %arg5[%dma_wait3A_180, %dma_wait3A_184] : memref<10x128xi32, #tpu.memory_space<vmem>> -> memref<1x128xi32, #tpu.memory_space<vmem>>
      %dma_wait3A_186 = tpu.memref_squeeze %dma_wait3A_185 : memref<1x128xi32, #tpu.memory_space<vmem>> -> memref<128xi32, #tpu.memory_space<vmem>>
      %dma_wait3A_187 = arith.constant 0 : i32
      %dma_wait3A_188 = arith.constant 0 : i32
      %dma_wait3A_189 = tpu.memref_slice %arg2[%dma_wait3A_187, %dma_wait3A_188] : memref<1000000x64xf32, #tpu.memory_space<hbm>> -> memref<1000000x64xf32, #tpu.memory_space<hbm>>
      tpu.wait_indirect_dma semaphore(%arg7 : memref<!tpu.dma_semaphore, #tpu.memory_space<semaphore_mem>>) src(%dma_wait3A_189 : memref<1000000x64xf32, #tpu.memory_space<hbm>>) dst(%dma_wait3A_183 : memref<128x64xf32, #tpu.memory_space<vmem>>)
      %dma_wait3A_190 = arith.constant 8 : i32
      %dma_wait3A_191 = arith.constant 1024 : i32
      %dma_wait3A_192 = arith.constant 0 : i32
      %dma_wait3A_193 = tpu.memref_slice %arg6[%dma_wait3A_191, %dma_wait3A_192] : memref<1280x64xf32, #tpu.memory_space<vmem>> -> memref<128x64xf32, #tpu.memory_space<vmem>>
      %dma_wait3A_194 = arith.constant 0 : i32
      %dma_wait3A_195 = tpu.memref_slice %arg5[%dma_wait3A_190, %dma_wait3A_194] : memref<10x128xi32, #tpu.memory_space<vmem>> -> memref<1x128xi32, #tpu.memory_space<vmem>>
      %dma_wait3A_196 = tpu.memref_squeeze %dma_wait3A_195 : memref<1x128xi32, #tpu.memory_space<vmem>> -> memref<128xi32, #tpu.memory_space<vmem>>
      %dma_wait3A_197 = arith.constant 0 : i32
      %dma_wait3A_198 = arith.constant 0 : i32
      %dma_wait3A_199 = tpu.memref_slice %arg2[%dma_wait3A_197, %dma_wait3A_198] : memref<1000000x64xf32, #tpu.memory_space<hbm>> -> memref<1000000x64xf32, #tpu.memory_space<hbm>>
      tpu.wait_indirect_dma semaphore(%arg7 : memref<!tpu.dma_semaphore, #tpu.memory_space<semaphore_mem>>) src(%dma_wait3A_199 : memref<1000000x64xf32, #tpu.memory_space<hbm>>) dst(%dma_wait3A_193 : memref<128x64xf32, #tpu.memory_space<vmem>>)
      %dma_wait3A_200 = arith.constant 9 : i32
      %dma_wait3A_201 = arith.constant 1152 : i32
      %dma_wait3A_202 = arith.constant 0 : i32
      %dma_wait3A_203 = tpu.memref_slice %arg6[%dma_wait3A_201, %dma_wait3A_202] : memref<1280x64xf32, #tpu.memory_space<vmem>> -> memref<128x64xf32, #tpu.memory_space<vmem>>
      %dma_wait3A_204 = arith.constant 0 : i32
      %dma_wait3A_205 = tpu.memref_slice %arg5[%dma_wait3A_200, %dma_wait3A_204] : memref<10x128xi32, #tpu.memory_space<vmem>> -> memref<1x128xi32, #tpu.memory_space<vmem>>
      %dma_wait3A_206 = tpu.memref_squeeze %dma_wait3A_205 : memref<1x128xi32, #tpu.memory_space<vmem>> -> memref<128xi32, #tpu.memory_space<vmem>>
      %dma_wait3A_207 = arith.constant 0 : i32
      %dma_wait3A_208 = arith.constant 0 : i32
      %dma_wait3A_209 = tpu.memref_slice %arg2[%dma_wait3A_207, %dma_wait3A_208] : memref<1000000x64xf32, #tpu.memory_space<hbm>> -> memref<1000000x64xf32, #tpu.memory_space<hbm>>
      tpu.wait_indirect_dma semaphore(%arg7 : memref<!tpu.dma_semaphore, #tpu.memory_space<semaphore_mem>>) src(%dma_wait3A_209 : memref<1000000x64xf32, #tpu.memory_space<hbm>>) dst(%dma_wait3A_203 : memref<128x64xf32, #tpu.memory_space<vmem>>)
      %mul3A_210 = arith.constant 128 : i32
      %mul3A_211 = arith.muli %add3A_11, %mul3A_210 : i32
      "tpu.region"() ({
        %run_scoped3A = tpu.sem_alloc : memref<!tpu.dma_semaphore, #tpu.memory_space<semaphore_mem>>
        %dma_start3A_212 = arith.constant 0 : i32
        %dma_start3A_213 = tpu.memref_slice %arg4[%mul3A_211, %dma_start3A_212] : memref<204800x64xf32, #tpu.memory_space<hbm>> -> memref<1280x64xf32, #tpu.memory_space<hbm>>
        %dma_start3A_214 = arith.constant 0 : i32
        %dma_start3A_215 = tpu.memref_slice %arg4[%mul3A_211, %dma_start3A_214] : memref<204800x64xf32, #tpu.memory_space<hbm>> -> memref<1280x64xf32, #tpu.memory_space<hbm>>
        tpu.enqueue_dma source(%arg6 : memref<1280x64xf32, #tpu.memory_space<vmem>>) target(%dma_start3A_215 : memref<1280x64xf32, #tpu.memory_space<hbm>>) target_semaphore(%run_scoped3A : memref<!tpu.dma_semaphore, #tpu.memory_space<semaphore_mem>>)
        %dma_wait3A_216 = arith.constant 0 : i32
        %dma_wait3A_217 = tpu.memref_slice %arg4[%mul3A_211, %dma_wait3A_216] : memref<204800x64xf32, #tpu.memory_space<hbm>> -> memref<1280x64xf32, #tpu.memory_space<hbm>>
        %dma_wait3A_218 = arith.constant 0 : i32
        %dma_wait3A_219 = tpu.memref_slice %arg4[%mul3A_211, %dma_wait3A_218] : memref<204800x64xf32, #tpu.memory_space<hbm>> -> memref<1280x64xf32, #tpu.memory_space<hbm>>
        tpu.wait_dma2 semaphore(%run_scoped3A : memref<!tpu.dma_semaphore, #tpu.memory_space<semaphore_mem>>) src(%arg6 : memref<1280x64xf32, #tpu.memory_space<vmem>>) dst(%dma_wait3A_219 : memref<1280x64xf32, #tpu.memory_space<hbm>>)
        tpu.yield
      }) : () -> ()
    }
    %scan3A_7 = arith.constant 5 : i32
    return
  }
}

module attributes {stable_mosaic.version = 14 : i64} {
  func.func @_lstm_body(%arg0: i32, %arg1: memref<20x1024x64xf32, #tpu.memory_space<vmem>>, %arg2: memref<64x512xbf16, #tpu.memory_space<vmem>>, %arg3: memref<128x512xbf16, #tpu.memory_space<vmem>>, %arg4: memref<1x512xf32, #tpu.memory_space<vmem>>, %arg5: memref<1x128xf32, #tpu.memory_space<vmem>>, %arg6: memref<1x1xf32, #tpu.memory_space<smem>>, %arg7: memref<20x1x1024xf32, #tpu.memory_space<vmem>>, %arg8: memref<1024x128xf32, #tpu.memory_space<vmem>>, %arg9: memref<1024x128xf32, #tpu.memory_space<vmem>>) attributes {dimension_semantics = [#tpu.dimension_semantics<arbitrary>], iteration_bounds = array<i64: 10>, scalar_prefetch = 0 : i64, scratch_operands = 2 : i64, tpu.core_type = #tpu.core_type<tc>, window_params = [{transform_indices = @transform_0, window_bounds = array<i64: 20, 1024, 64>}, {pipeline_mode = #tpu.pipeline_mode<synchronous>, transform_indices = @transform_1, window_bounds = array<i64: 64, 512>}, {pipeline_mode = #tpu.pipeline_mode<synchronous>, transform_indices = @transform_2, window_bounds = array<i64: 128, 512>}, {pipeline_mode = #tpu.pipeline_mode<synchronous>, transform_indices = @transform_3, window_bounds = array<i64: 1, 512>}, {pipeline_mode = #tpu.pipeline_mode<synchronous>, transform_indices = @transform_4, window_bounds = array<i64: 1, 128>}, {transform_indices = @transform_5, window_bounds = array<i64: 1, 1>}, {transform_indices = @transform_6, window_bounds = array<i64: 20, 1, 1024>}]} {
    %eq3A = arith.constant 0 : i32
    %eq3A_0 = arith.cmpi eq, %arg0, %eq3A : i32
    %convert_element_type3A = arith.extui %eq3A_0 : i1 to i32
    %cond3A = arith.constant 0 : i32
    %cond3A_1 = arith.cmpi ne, %convert_element_type3A, %cond3A : i32
    scf.if %cond3A_1 {
      %broadcast_in_dim3A = arith.constant 0.000000e+00 : f32
      %broadcast_in_dim3A_1505 = vector.broadcast %broadcast_in_dim3A : f32 to vector<1024x128xf32>
      %swap3A_1506 = arith.constant 0 : index
      %swap3A_1507 = arith.constant 0 : index
      %swap3A_1508 = vector.load %arg8[%swap3A_1506, %swap3A_1507] : memref<1024x128xf32, #tpu.memory_space<vmem>>, vector<1024x128xf32>
      tpu.vector_store %arg8[%swap3A_1506, %swap3A_1507], %broadcast_in_dim3A_1505 {strides = array<i32>} : memref<1024x128xf32, #tpu.memory_space<vmem>>, vector<1024x128xf32>,
      %broadcast_in_dim3A_1509 = arith.constant 0.000000e+00 : f32
      %broadcast_in_dim3A_1510 = vector.broadcast %broadcast_in_dim3A_1509 : f32 to vector<1024x128xf32>
      %swap3A_1511 = arith.constant 0 : index
      %swap3A_1512 = arith.constant 0 : index
      %swap3A_1513 = vector.load %arg9[%swap3A_1511, %swap3A_1512] : memref<1024x128xf32, #tpu.memory_space<vmem>>, vector<1024x128xf32>
      tpu.vector_store %arg9[%swap3A_1511, %swap3A_1512], %broadcast_in_dim3A_1510 {strides = array<i32>} : memref<1024x128xf32, #tpu.memory_space<vmem>>, vector<1024x128xf32>,
    } else {
    }
    %get3A = arith.constant 0 : index
    %get3A_2 = arith.constant 0 : index
    %get3A_3 = vector.load %arg8[%get3A, %get3A_2] : memref<1024x128xf32, #tpu.memory_space<vmem>>, vector<1024x128xf32>
    %get3A_4 = arith.constant 0 : index
    %get3A_5 = arith.constant 0 : index
    %get3A_6 = vector.load %arg9[%get3A_4, %get3A_5] : memref<1024x128xf32, #tpu.memory_space<vmem>>, vector<1024x128xf32>
    %get3A_7 = arith.constant 0 : index
    %get3A_8 = arith.constant 0 : index
    %get3A_9 = arith.constant 0 : index
    %get3A_10 = vector.load %arg1[%get3A_7, %get3A_8, %get3A_9] : memref<20x1024x64xf32, #tpu.memory_space<vmem>>, vector<1x1024x64xf32>
    %get3A_11 = vector.shape_cast %get3A_10 : vector<1x1024x64xf32> to vector<1024x64xf32>
    %convert_element_type3A_12 = arith.truncf %get3A_11 : vector<1024x64xf32> to vector<1024x64xbf16>
    %get3A_13 = arith.constant 0 : index
    %get3A_14 = arith.constant 0 : index
    %get3A_15 = vector.load %arg2[%get3A_13, %get3A_14] : memref<64x512xbf16, #tpu.memory_space<vmem>>, vector<64x512xbf16>
    %dot_general3A = arith.constant dense<0.000000e+00> : vector<1024x512xf32>
    %dot_general3A_16 = tpu.matmul %convert_element_type3A_12, %get3A_15, %dot_general3A {dimension_numbers = #tpu.dot_dimension_numbers<[1], [0], [0], [1], [0, 0, 1, 1], [], []>, transpose_lhs_hint = false} : vector<1024x64xbf16>, vector<64x512xbf16>, vector<1024x512xf32> -> vector<1024x512xf32>
    %convert_element_type3A_17 = arith.truncf %get3A_3 : vector<1024x128xf32> to vector<1024x128xbf16>
    %get3A_18 = arith.constant 0 : index
    %get3A_19 = arith.constant 0 : index
    %get3A_20 = vector.load %arg3[%get3A_18, %get3A_19] : memref<128x512xbf16, #tpu.memory_space<vmem>>, vector<128x512xbf16>
    %dot_general3A_21 = arith.constant dense<0.000000e+00> : vector<1024x512xf32>
    %dot_general3A_22 = tpu.matmul %convert_element_type3A_17, %get3A_20, %dot_general3A_21 {dimension_numbers = #tpu.dot_dimension_numbers<[1], [0], [0], [1], [0, 0, 1, 1], [], []>, transpose_lhs_hint = false} : vector<1024x128xbf16>, vector<128x512xbf16>, vector<1024x512xf32> -> vector<1024x512xf32>
    %add3A = arith.addf %dot_general3A_16, %dot_general3A_22 : vector<1024x512xf32>
    %get3A_23 = arith.constant 0 : index
    %get3A_24 = arith.constant 0 : index
    %get3A_25 = vector.load %arg4[%get3A_23, %get3A_24] : memref<1x512xf32, #tpu.memory_space<vmem>>, vector<1x512xf32>
    %add3A_26 = vector.broadcast %get3A_25 : vector<1x512xf32> to vector<1024x512xf32>
    %add3A_27 = arith.addf %add3A, %add3A_26 : vector<1024x512xf32>
    %slice3A = vector.extract_strided_slice %add3A_27 {offsets = [0, 0], sizes = [1024, 128], strides = [1, 1]} : vector<1024x512xf32> to vector<1024x128xf32>
    %logistic3A = arith.negf %slice3A : vector<1024x128xf32>
    %logistic3A_28 = math.exp %logistic3A : vector<1024x128xf32>
    %logistic3A_29 = arith.constant 1.000000e+00 : f32
    %logistic3A_30 = vector.broadcast %logistic3A_29 : f32 to vector<1024x128xf32>
    %logistic3A_31 = arith.addf %logistic3A_30, %logistic3A_28 : vector<1024x128xf32>
    %logistic3A_32 = arith.divf %logistic3A_30, %logistic3A_31 : vector<1024x128xf32>
    %slice3A_33 = vector.extract_strided_slice %add3A_27 {offsets = [0, 128], sizes = [1024, 128], strides = [1, 1]} : vector<1024x512xf32> to vector<1024x128xf32>
    %logistic3A_34 = arith.negf %slice3A_33 : vector<1024x128xf32>
    %logistic3A_35 = math.exp %logistic3A_34 : vector<1024x128xf32>
    %logistic3A_36 = arith.constant 1.000000e+00 : f32
    %logistic3A_37 = vector.broadcast %logistic3A_36 : f32 to vector<1024x128xf32>
    %logistic3A_38 = arith.addf %logistic3A_37, %logistic3A_35 : vector<1024x128xf32>
    %logistic3A_39 = arith.divf %logistic3A_37, %logistic3A_38 : vector<1024x128xf32>
    %slice3A_40 = vector.extract_strided_slice %add3A_27 {offsets = [0, 256], sizes = [1024, 128], strides = [1, 1]} : vector<1024x512xf32> to vector<1024x128xf32>
    %tanh3A = math.tanh %slice3A_40 : vector<1024x128xf32>
    %slice3A_41 = vector.extract_strided_slice %add3A_27 {offsets = [0, 384], sizes = [1024, 128], strides = [1, 1]} : vector<1024x512xf32> to vector<1024x128xf32>
    %logistic3A_42 = arith.negf %slice3A_41 : vector<1024x128xf32>
    %logistic3A_43 = math.exp %logistic3A_42 : vector<1024x128xf32>
    %logistic3A_44 = arith.constant 1.000000e+00 : f32
    %logistic3A_45 = vector.broadcast %logistic3A_44 : f32 to vector<1024x128xf32>
    %logistic3A_46 = arith.addf %logistic3A_45, %logistic3A_43 : vector<1024x128xf32>
    %logistic3A_47 = arith.divf %logistic3A_45, %logistic3A_46 : vector<1024x128xf32>
    %mul3A = arith.mulf %logistic3A_39, %get3A_6 : vector<1024x128xf32>
    %mul3A_48 = arith.mulf %logistic3A_32, %tanh3A : vector<1024x128xf32>
    %add3A_49 = arith.addf %mul3A, %mul3A_48 : vector<1024x128xf32>
    %tanh3A_50 = math.tanh %add3A_49 : vector<1024x128xf32>
    %mul3A_51 = arith.mulf %logistic3A_47, %tanh3A_50 : vector<1024x128xf32>
    %get3A_52 = arith.constant 0 : index
    %get3A_53 = arith.constant 0 : index
    %get3A_54 = vector.load %arg5[%get3A_52, %get3A_53] : memref<1x128xf32, #tpu.memory_space<vmem>>, vector<1x128xf32>
    %mul3A_55 = vector.broadcast %get3A_54 : vector<1x128xf32> to vector<1024x128xf32>
    %mul3A_56 = arith.mulf %mul3A_51, %mul3A_55 : vector<1024x128xf32>
    %reduce_sum3A = arith.constant dense<0.000000e+00> : vector<1024xf32>
    %reduce_sum3A_57 = vector.multi_reduction <add>, %mul3A_56, %reduce_sum3A [1] : vector<1024x128xf32> to vector<1024xf32>
    %get3A_58 = arith.constant 0 : index
    %get3A_59 = arith.constant 0 : index
    %get3A_60 = memref.load %arg6[%get3A_58, %get3A_59] : memref<1x1xf32, #tpu.memory_space<smem>>
    %add3A_61 = vector.broadcast %get3A_60 : f32 to vector<1024xf32>
    %add3A_62 = arith.addf %reduce_sum3A_57, %add3A_61 : vector<1024xf32>
    %logistic3A_63 = arith.negf %add3A_62 : vector<1024xf32>
    %logistic3A_64 = math.exp %logistic3A_63 : vector<1024xf32>
    %logistic3A_65 = arith.constant 1.000000e+00 : f32
    %logistic3A_66 = vector.broadcast %logistic3A_65 : f32 to vector<1024xf32>
    %logistic3A_67 = arith.addf %logistic3A_66, %logistic3A_64 : vector<1024xf32>
    %logistic3A_68 = arith.divf %logistic3A_66, %logistic3A_67 : vector<1024xf32>
    %swap3A = arith.constant 0 : index
    %swap3A_69 = arith.constant 0 : index
    %swap3A_70 = arith.constant 0 : index
    %swap3A_71 = vector.load %arg7[%swap3A, %swap3A_69, %swap3A_70] : memref<20x1x1024xf32, #tpu.memory_space<vmem>>, vector<1x1x1024xf32>
    %swap3A_72 = vector.shape_cast %swap3A_71 : vector<1x1x1024xf32> to vector<1024xf32>
    %swap3A_73 = vector.shape_cast %logistic3A_68 : vector<1024xf32> to vector<1x1x1024xf32>
    tpu.vector_store %arg7[%swap3A, %swap3A_69, %swap3A_70], %swap3A_73 {strides = array<i32>} : memref<20x1x1024xf32, #tpu.memory_space<vmem>>, vector<1x1x1024xf32>,
    %get3A_74 = arith.constant 1 : index
    %get3A_75 = arith.constant 0 : index
    %get3A_76 = arith.constant 0 : index
    %get3A_77 = vector.load %arg1[%get3A_74, %get3A_75, %get3A_76] : memref<20x1024x64xf32, #tpu.memory_space<vmem>>, vector<1x1024x64xf32>
    %get3A_78 = vector.shape_cast %get3A_77 : vector<1x1024x64xf32> to vector<1024x64xf32>
    %convert_element_type3A_79 = arith.truncf %get3A_78 : vector<1024x64xf32> to vector<1024x64xbf16>
    %get3A_80 = arith.constant 0 : index
    %get3A_81 = arith.constant 0 : index
    %get3A_82 = vector.load %arg2[%get3A_80, %get3A_81] : memref<64x512xbf16, #tpu.memory_space<vmem>>, vector<64x512xbf16>
    %dot_general3A_83 = arith.constant dense<0.000000e+00> : vector<1024x512xf32>
    %dot_general3A_84 = tpu.matmul %convert_element_type3A_79, %get3A_82, %dot_general3A_83 {dimension_numbers = #tpu.dot_dimension_numbers<[1], [0], [0], [1], [0, 0, 1, 1], [], []>, transpose_lhs_hint = false} : vector<1024x64xbf16>, vector<64x512xbf16>, vector<1024x512xf32> -> vector<1024x512xf32>
    %convert_element_type3A_85 = arith.truncf %mul3A_51 : vector<1024x128xf32> to vector<1024x128xbf16>
    %get3A_86 = arith.constant 0 : index
    %get3A_87 = arith.constant 0 : index
    %get3A_88 = vector.load %arg3[%get3A_86, %get3A_87] : memref<128x512xbf16, #tpu.memory_space<vmem>>, vector<128x512xbf16>
    %dot_general3A_89 = arith.constant dense<0.000000e+00> : vector<1024x512xf32>
    %dot_general3A_90 = tpu.matmul %convert_element_type3A_85, %get3A_88, %dot_general3A_89 {dimension_numbers = #tpu.dot_dimension_numbers<[1], [0], [0], [1], [0, 0, 1, 1], [], []>, transpose_lhs_hint = false} : vector<1024x128xbf16>, vector<128x512xbf16>, vector<1024x512xf32> -> vector<1024x512xf32>
    %add3A_91 = arith.addf %dot_general3A_84, %dot_general3A_90 : vector<1024x512xf32>
    %get3A_92 = arith.constant 0 : index
    %get3A_93 = arith.constant 0 : index
    %get3A_94 = vector.load %arg4[%get3A_92, %get3A_93] : memref<1x512xf32, #tpu.memory_space<vmem>>, vector<1x512xf32>
    %add3A_95 = vector.broadcast %get3A_94 : vector<1x512xf32> to vector<1024x512xf32>
    %add3A_96 = arith.addf %add3A_91, %add3A_95 : vector<1024x512xf32>
    %slice3A_97 = vector.extract_strided_slice %add3A_96 {offsets = [0, 0], sizes = [1024, 128], strides = [1, 1]} : vector<1024x512xf32> to vector<1024x128xf32>
    %logistic3A_98 = arith.negf %slice3A_97 : vector<1024x128xf32>
    %logistic3A_99 = math.exp %logistic3A_98 : vector<1024x128xf32>
    %logistic3A_100 = arith.constant 1.000000e+00 : f32
    %logistic3A_101 = vector.broadcast %logistic3A_100 : f32 to vector<1024x128xf32>
    %logistic3A_102 = arith.addf %logistic3A_101, %logistic3A_99 : vector<1024x128xf32>
    %logistic3A_103 = arith.divf %logistic3A_101, %logistic3A_102 : vector<1024x128xf32>
    %slice3A_104 = vector.extract_strided_slice %add3A_96 {offsets = [0, 128], sizes = [1024, 128], strides = [1, 1]} : vector<1024x512xf32> to vector<1024x128xf32>
    %logistic3A_105 = arith.negf %slice3A_104 : vector<1024x128xf32>
    %logistic3A_106 = math.exp %logistic3A_105 : vector<1024x128xf32>
    %logistic3A_107 = arith.constant 1.000000e+00 : f32
    %logistic3A_108 = vector.broadcast %logistic3A_107 : f32 to vector<1024x128xf32>
    %logistic3A_109 = arith.addf %logistic3A_108, %logistic3A_106 : vector<1024x128xf32>
    %logistic3A_110 = arith.divf %logistic3A_108, %logistic3A_109 : vector<1024x128xf32>
    %slice3A_111 = vector.extract_strided_slice %add3A_96 {offsets = [0, 256], sizes = [1024, 128], strides = [1, 1]} : vector<1024x512xf32> to vector<1024x128xf32>
    %tanh3A_112 = math.tanh %slice3A_111 : vector<1024x128xf32>
    %slice3A_113 = vector.extract_strided_slice %add3A_96 {offsets = [0, 384], sizes = [1024, 128], strides = [1, 1]} : vector<1024x512xf32> to vector<1024x128xf32>
    %logistic3A_114 = arith.negf %slice3A_113 : vector<1024x128xf32>
    %logistic3A_115 = math.exp %logistic3A_114 : vector<1024x128xf32>
    %logistic3A_116 = arith.constant 1.000000e+00 : f32
    %logistic3A_117 = vector.broadcast %logistic3A_116 : f32 to vector<1024x128xf32>
    %logistic3A_118 = arith.addf %logistic3A_117, %logistic3A_115 : vector<1024x128xf32>
    %logistic3A_119 = arith.divf %logistic3A_117, %logistic3A_118 : vector<1024x128xf32>
    %mul3A_120 = arith.mulf %logistic3A_110, %add3A_49 : vector<1024x128xf32>
    %mul3A_121 = arith.mulf %logistic3A_103, %tanh3A_112 : vector<1024x128xf32>
    %add3A_122 = arith.addf %mul3A_120, %mul3A_121 : vector<1024x128xf32>
    %tanh3A_123 = math.tanh %add3A_122 : vector<1024x128xf32>
    %mul3A_124 = arith.mulf %logistic3A_119, %tanh3A_123 : vector<1024x128xf32>
    %get3A_125 = arith.constant 0 : index
    %get3A_126 = arith.constant 0 : index
    %get3A_127 = vector.load %arg5[%get3A_125, %get3A_126] : memref<1x128xf32, #tpu.memory_space<vmem>>, vector<1x128xf32>
    %mul3A_128 = vector.broadcast %get3A_127 : vector<1x128xf32> to vector<1024x128xf32>
    %mul3A_129 = arith.mulf %mul3A_124, %mul3A_128 : vector<1024x128xf32>
    %reduce_sum3A_130 = arith.constant dense<0.000000e+00> : vector<1024xf32>
    %reduce_sum3A_131 = vector.multi_reduction <add>, %mul3A_129, %reduce_sum3A_130 [1] : vector<1024x128xf32> to vector<1024xf32>
    %get3A_132 = arith.constant 0 : index
    %get3A_133 = arith.constant 0 : index
    %get3A_134 = memref.load %arg6[%get3A_132, %get3A_133] : memref<1x1xf32, #tpu.memory_space<smem>>
    %add3A_135 = vector.broadcast %get3A_134 : f32 to vector<1024xf32>
    %add3A_136 = arith.addf %reduce_sum3A_131, %add3A_135 : vector<1024xf32>
    %logistic3A_137 = arith.negf %add3A_136 : vector<1024xf32>
    %logistic3A_138 = math.exp %logistic3A_137 : vector<1024xf32>
    %logistic3A_139 = arith.constant 1.000000e+00 : f32
    %logistic3A_140 = vector.broadcast %logistic3A_139 : f32 to vector<1024xf32>
    %logistic3A_141 = arith.addf %logistic3A_140, %logistic3A_138 : vector<1024xf32>
    %logistic3A_142 = arith.divf %logistic3A_140, %logistic3A_141 : vector<1024xf32>
    %swap3A_143 = arith.constant 1 : index
    %swap3A_144 = arith.constant 0 : index
    %swap3A_145 = arith.constant 0 : index
    %swap3A_146 = vector.load %arg7[%swap3A_143, %swap3A_144, %swap3A_145] : memref<20x1x1024xf32, #tpu.memory_space<vmem>>, vector<1x1x1024xf32>
    %swap3A_147 = vector.shape_cast %swap3A_146 : vector<1x1x1024xf32> to vector<1024xf32>
    %swap3A_148 = vector.shape_cast %logistic3A_142 : vector<1024xf32> to vector<1x1x1024xf32>
    tpu.vector_store %arg7[%swap3A_143, %swap3A_144, %swap3A_145], %swap3A_148 {strides = array<i32>} : memref<20x1x1024xf32, #tpu.memory_space<vmem>>, vector<1x1x1024xf32>,
    %get3A_149 = arith.constant 2 : index
    %get3A_150 = arith.constant 0 : index
    %get3A_151 = arith.constant 0 : index
    %get3A_152 = vector.load %arg1[%get3A_149, %get3A_150, %get3A_151] : memref<20x1024x64xf32, #tpu.memory_space<vmem>>, vector<1x1024x64xf32>
    %get3A_153 = vector.shape_cast %get3A_152 : vector<1x1024x64xf32> to vector<1024x64xf32>
    %convert_element_type3A_154 = arith.truncf %get3A_153 : vector<1024x64xf32> to vector<1024x64xbf16>
    %get3A_155 = arith.constant 0 : index
    %get3A_156 = arith.constant 0 : index
    %get3A_157 = vector.load %arg2[%get3A_155, %get3A_156] : memref<64x512xbf16, #tpu.memory_space<vmem>>, vector<64x512xbf16>
    %dot_general3A_158 = arith.constant dense<0.000000e+00> : vector<1024x512xf32>
    %dot_general3A_159 = tpu.matmul %convert_element_type3A_154, %get3A_157, %dot_general3A_158 {dimension_numbers = #tpu.dot_dimension_numbers<[1], [0], [0], [1], [0, 0, 1, 1], [], []>, transpose_lhs_hint = false} : vector<1024x64xbf16>, vector<64x512xbf16>, vector<1024x512xf32> -> vector<1024x512xf32>
    %convert_element_type3A_160 = arith.truncf %mul3A_124 : vector<1024x128xf32> to vector<1024x128xbf16>
    %get3A_161 = arith.constant 0 : index
    %get3A_162 = arith.constant 0 : index
    %get3A_163 = vector.load %arg3[%get3A_161, %get3A_162] : memref<128x512xbf16, #tpu.memory_space<vmem>>, vector<128x512xbf16>
    %dot_general3A_164 = arith.constant dense<0.000000e+00> : vector<1024x512xf32>
    %dot_general3A_165 = tpu.matmul %convert_element_type3A_160, %get3A_163, %dot_general3A_164 {dimension_numbers = #tpu.dot_dimension_numbers<[1], [0], [0], [1], [0, 0, 1, 1], [], []>, transpose_lhs_hint = false} : vector<1024x128xbf16>, vector<128x512xbf16>, vector<1024x512xf32> -> vector<1024x512xf32>
    %add3A_166 = arith.addf %dot_general3A_159, %dot_general3A_165 : vector<1024x512xf32>
    %get3A_167 = arith.constant 0 : index
    %get3A_168 = arith.constant 0 : index
    %get3A_169 = vector.load %arg4[%get3A_167, %get3A_168] : memref<1x512xf32, #tpu.memory_space<vmem>>, vector<1x512xf32>
    %add3A_170 = vector.broadcast %get3A_169 : vector<1x512xf32> to vector<1024x512xf32>
    %add3A_171 = arith.addf %add3A_166, %add3A_170 : vector<1024x512xf32>
    %slice3A_172 = vector.extract_strided_slice %add3A_171 {offsets = [0, 0], sizes = [1024, 128], strides = [1, 1]} : vector<1024x512xf32> to vector<1024x128xf32>
    %logistic3A_173 = arith.negf %slice3A_172 : vector<1024x128xf32>
    %logistic3A_174 = math.exp %logistic3A_173 : vector<1024x128xf32>
    %logistic3A_175 = arith.constant 1.000000e+00 : f32
    %logistic3A_176 = vector.broadcast %logistic3A_175 : f32 to vector<1024x128xf32>
    %logistic3A_177 = arith.addf %logistic3A_176, %logistic3A_174 : vector<1024x128xf32>
    %logistic3A_178 = arith.divf %logistic3A_176, %logistic3A_177 : vector<1024x128xf32>
    %slice3A_179 = vector.extract_strided_slice %add3A_171 {offsets = [0, 128], sizes = [1024, 128], strides = [1, 1]} : vector<1024x512xf32> to vector<1024x128xf32>
    %logistic3A_180 = arith.negf %slice3A_179 : vector<1024x128xf32>
    %logistic3A_181 = math.exp %logistic3A_180 : vector<1024x128xf32>
    %logistic3A_182 = arith.constant 1.000000e+00 : f32
    %logistic3A_183 = vector.broadcast %logistic3A_182 : f32 to vector<1024x128xf32>
    %logistic3A_184 = arith.addf %logistic3A_183, %logistic3A_181 : vector<1024x128xf32>
    %logistic3A_185 = arith.divf %logistic3A_183, %logistic3A_184 : vector<1024x128xf32>
    %slice3A_186 = vector.extract_strided_slice %add3A_171 {offsets = [0, 256], sizes = [1024, 128], strides = [1, 1]} : vector<1024x512xf32> to vector<1024x128xf32>
    %tanh3A_187 = math.tanh %slice3A_186 : vector<1024x128xf32>
    %slice3A_188 = vector.extract_strided_slice %add3A_171 {offsets = [0, 384], sizes = [1024, 128], strides = [1, 1]} : vector<1024x512xf32> to vector<1024x128xf32>
    %logistic3A_189 = arith.negf %slice3A_188 : vector<1024x128xf32>
    %logistic3A_190 = math.exp %logistic3A_189 : vector<1024x128xf32>
    %logistic3A_191 = arith.constant 1.000000e+00 : f32
    %logistic3A_192 = vector.broadcast %logistic3A_191 : f32 to vector<1024x128xf32>
    %logistic3A_193 = arith.addf %logistic3A_192, %logistic3A_190 : vector<1024x128xf32>
    %logistic3A_194 = arith.divf %logistic3A_192, %logistic3A_193 : vector<1024x128xf32>
    %mul3A_195 = arith.mulf %logistic3A_185, %add3A_122 : vector<1024x128xf32>
    %mul3A_196 = arith.mulf %logistic3A_178, %tanh3A_187 : vector<1024x128xf32>
    %add3A_197 = arith.addf %mul3A_195, %mul3A_196 : vector<1024x128xf32>
    %tanh3A_198 = math.tanh %add3A_197 : vector<1024x128xf32>
    %mul3A_199 = arith.mulf %logistic3A_194, %tanh3A_198 : vector<1024x128xf32>
    %get3A_200 = arith.constant 0 : index
    %get3A_201 = arith.constant 0 : index
    %get3A_202 = vector.load %arg5[%get3A_200, %get3A_201] : memref<1x128xf32, #tpu.memory_space<vmem>>, vector<1x128xf32>
    %mul3A_203 = vector.broadcast %get3A_202 : vector<1x128xf32> to vector<1024x128xf32>
    %mul3A_204 = arith.mulf %mul3A_199, %mul3A_203 : vector<1024x128xf32>
    %reduce_sum3A_205 = arith.constant dense<0.000000e+00> : vector<1024xf32>
    %reduce_sum3A_206 = vector.multi_reduction <add>, %mul3A_204, %reduce_sum3A_205 [1] : vector<1024x128xf32> to vector<1024xf32>
    %get3A_207 = arith.constant 0 : index
    %get3A_208 = arith.constant 0 : index
    %get3A_209 = memref.load %arg6[%get3A_207, %get3A_208] : memref<1x1xf32, #tpu.memory_space<smem>>
    %add3A_210 = vector.broadcast %get3A_209 : f32 to vector<1024xf32>
    %add3A_211 = arith.addf %reduce_sum3A_206, %add3A_210 : vector<1024xf32>
    %logistic3A_212 = arith.negf %add3A_211 : vector<1024xf32>
    %logistic3A_213 = math.exp %logistic3A_212 : vector<1024xf32>
    %logistic3A_214 = arith.constant 1.000000e+00 : f32
    %logistic3A_215 = vector.broadcast %logistic3A_214 : f32 to vector<1024xf32>
    %logistic3A_216 = arith.addf %logistic3A_215, %logistic3A_213 : vector<1024xf32>
    %logistic3A_217 = arith.divf %logistic3A_215, %logistic3A_216 : vector<1024xf32>
    %swap3A_218 = arith.constant 2 : index
    %swap3A_219 = arith.constant 0 : index
    %swap3A_220 = arith.constant 0 : index
    %swap3A_221 = vector.load %arg7[%swap3A_218, %swap3A_219, %swap3A_220] : memref<20x1x1024xf32, #tpu.memory_space<vmem>>, vector<1x1x1024xf32>
    %swap3A_222 = vector.shape_cast %swap3A_221 : vector<1x1x1024xf32> to vector<1024xf32>
    %swap3A_223 = vector.shape_cast %logistic3A_217 : vector<1024xf32> to vector<1x1x1024xf32>
    tpu.vector_store %arg7[%swap3A_218, %swap3A_219, %swap3A_220], %swap3A_223 {strides = array<i32>} : memref<20x1x1024xf32, #tpu.memory_space<vmem>>, vector<1x1x1024xf32>,
    %get3A_224 = arith.constant 3 : index
    %get3A_225 = arith.constant 0 : index
    %get3A_226 = arith.constant 0 : index
    %get3A_227 = vector.load %arg1[%get3A_224, %get3A_225, %get3A_226] : memref<20x1024x64xf32, #tpu.memory_space<vmem>>, vector<1x1024x64xf32>
    %get3A_228 = vector.shape_cast %get3A_227 : vector<1x1024x64xf32> to vector<1024x64xf32>
    %convert_element_type3A_229 = arith.truncf %get3A_228 : vector<1024x64xf32> to vector<1024x64xbf16>
    %get3A_230 = arith.constant 0 : index
    %get3A_231 = arith.constant 0 : index
    %get3A_232 = vector.load %arg2[%get3A_230, %get3A_231] : memref<64x512xbf16, #tpu.memory_space<vmem>>, vector<64x512xbf16>
    %dot_general3A_233 = arith.constant dense<0.000000e+00> : vector<1024x512xf32>
    %dot_general3A_234 = tpu.matmul %convert_element_type3A_229, %get3A_232, %dot_general3A_233 {dimension_numbers = #tpu.dot_dimension_numbers<[1], [0], [0], [1], [0, 0, 1, 1], [], []>, transpose_lhs_hint = false} : vector<1024x64xbf16>, vector<64x512xbf16>, vector<1024x512xf32> -> vector<1024x512xf32>
    %convert_element_type3A_235 = arith.truncf %mul3A_199 : vector<1024x128xf32> to vector<1024x128xbf16>
    %get3A_236 = arith.constant 0 : index
    %get3A_237 = arith.constant 0 : index
    %get3A_238 = vector.load %arg3[%get3A_236, %get3A_237] : memref<128x512xbf16, #tpu.memory_space<vmem>>, vector<128x512xbf16>
    %dot_general3A_239 = arith.constant dense<0.000000e+00> : vector<1024x512xf32>
    %dot_general3A_240 = tpu.matmul %convert_element_type3A_235, %get3A_238, %dot_general3A_239 {dimension_numbers = #tpu.dot_dimension_numbers<[1], [0], [0], [1], [0, 0, 1, 1], [], []>, transpose_lhs_hint = false} : vector<1024x128xbf16>, vector<128x512xbf16>, vector<1024x512xf32> -> vector<1024x512xf32>
    %add3A_241 = arith.addf %dot_general3A_234, %dot_general3A_240 : vector<1024x512xf32>
    %get3A_242 = arith.constant 0 : index
    %get3A_243 = arith.constant 0 : index
    %get3A_244 = vector.load %arg4[%get3A_242, %get3A_243] : memref<1x512xf32, #tpu.memory_space<vmem>>, vector<1x512xf32>
    %add3A_245 = vector.broadcast %get3A_244 : vector<1x512xf32> to vector<1024x512xf32>
    %add3A_246 = arith.addf %add3A_241, %add3A_245 : vector<1024x512xf32>
    %slice3A_247 = vector.extract_strided_slice %add3A_246 {offsets = [0, 0], sizes = [1024, 128], strides = [1, 1]} : vector<1024x512xf32> to vector<1024x128xf32>
    %logistic3A_248 = arith.negf %slice3A_247 : vector<1024x128xf32>
    %logistic3A_249 = math.exp %logistic3A_248 : vector<1024x128xf32>
    %logistic3A_250 = arith.constant 1.000000e+00 : f32
    %logistic3A_251 = vector.broadcast %logistic3A_250 : f32 to vector<1024x128xf32>
    %logistic3A_252 = arith.addf %logistic3A_251, %logistic3A_249 : vector<1024x128xf32>
    %logistic3A_253 = arith.divf %logistic3A_251, %logistic3A_252 : vector<1024x128xf32>
    %slice3A_254 = vector.extract_strided_slice %add3A_246 {offsets = [0, 128], sizes = [1024, 128], strides = [1, 1]} : vector<1024x512xf32> to vector<1024x128xf32>
    %logistic3A_255 = arith.negf %slice3A_254 : vector<1024x128xf32>
    %logistic3A_256 = math.exp %logistic3A_255 : vector<1024x128xf32>
    %logistic3A_257 = arith.constant 1.000000e+00 : f32
    %logistic3A_258 = vector.broadcast %logistic3A_257 : f32 to vector<1024x128xf32>
    %logistic3A_259 = arith.addf %logistic3A_258, %logistic3A_256 : vector<1024x128xf32>
    %logistic3A_260 = arith.divf %logistic3A_258, %logistic3A_259 : vector<1024x128xf32>
    %slice3A_261 = vector.extract_strided_slice %add3A_246 {offsets = [0, 256], sizes = [1024, 128], strides = [1, 1]} : vector<1024x512xf32> to vector<1024x128xf32>
    %tanh3A_262 = math.tanh %slice3A_261 : vector<1024x128xf32>
    %slice3A_263 = vector.extract_strided_slice %add3A_246 {offsets = [0, 384], sizes = [1024, 128], strides = [1, 1]} : vector<1024x512xf32> to vector<1024x128xf32>
    %logistic3A_264 = arith.negf %slice3A_263 : vector<1024x128xf32>
    %logistic3A_265 = math.exp %logistic3A_264 : vector<1024x128xf32>
    %logistic3A_266 = arith.constant 1.000000e+00 : f32
    %logistic3A_267 = vector.broadcast %logistic3A_266 : f32 to vector<1024x128xf32>
    %logistic3A_268 = arith.addf %logistic3A_267, %logistic3A_265 : vector<1024x128xf32>
    %logistic3A_269 = arith.divf %logistic3A_267, %logistic3A_268 : vector<1024x128xf32>
    %mul3A_270 = arith.mulf %logistic3A_260, %add3A_197 : vector<1024x128xf32>
    %mul3A_271 = arith.mulf %logistic3A_253, %tanh3A_262 : vector<1024x128xf32>
    %add3A_272 = arith.addf %mul3A_270, %mul3A_271 : vector<1024x128xf32>
    %tanh3A_273 = math.tanh %add3A_272 : vector<1024x128xf32>
    %mul3A_274 = arith.mulf %logistic3A_269, %tanh3A_273 : vector<1024x128xf32>
    %get3A_275 = arith.constant 0 : index
    %get3A_276 = arith.constant 0 : index
    %get3A_277 = vector.load %arg5[%get3A_275, %get3A_276] : memref<1x128xf32, #tpu.memory_space<vmem>>, vector<1x128xf32>
    %mul3A_278 = vector.broadcast %get3A_277 : vector<1x128xf32> to vector<1024x128xf32>
    %mul3A_279 = arith.mulf %mul3A_274, %mul3A_278 : vector<1024x128xf32>
    %reduce_sum3A_280 = arith.constant dense<0.000000e+00> : vector<1024xf32>
    %reduce_sum3A_281 = vector.multi_reduction <add>, %mul3A_279, %reduce_sum3A_280 [1] : vector<1024x128xf32> to vector<1024xf32>
    %get3A_282 = arith.constant 0 : index
    %get3A_283 = arith.constant 0 : index
    %get3A_284 = memref.load %arg6[%get3A_282, %get3A_283] : memref<1x1xf32, #tpu.memory_space<smem>>
    %add3A_285 = vector.broadcast %get3A_284 : f32 to vector<1024xf32>
    %add3A_286 = arith.addf %reduce_sum3A_281, %add3A_285 : vector<1024xf32>
    %logistic3A_287 = arith.negf %add3A_286 : vector<1024xf32>
    %logistic3A_288 = math.exp %logistic3A_287 : vector<1024xf32>
    %logistic3A_289 = arith.constant 1.000000e+00 : f32
    %logistic3A_290 = vector.broadcast %logistic3A_289 : f32 to vector<1024xf32>
    %logistic3A_291 = arith.addf %logistic3A_290, %logistic3A_288 : vector<1024xf32>
    %logistic3A_292 = arith.divf %logistic3A_290, %logistic3A_291 : vector<1024xf32>
    %swap3A_293 = arith.constant 3 : index
    %swap3A_294 = arith.constant 0 : index
    %swap3A_295 = arith.constant 0 : index
    %swap3A_296 = vector.load %arg7[%swap3A_293, %swap3A_294, %swap3A_295] : memref<20x1x1024xf32, #tpu.memory_space<vmem>>, vector<1x1x1024xf32>
    %swap3A_297 = vector.shape_cast %swap3A_296 : vector<1x1x1024xf32> to vector<1024xf32>
    %swap3A_298 = vector.shape_cast %logistic3A_292 : vector<1024xf32> to vector<1x1x1024xf32>
    tpu.vector_store %arg7[%swap3A_293, %swap3A_294, %swap3A_295], %swap3A_298 {strides = array<i32>} : memref<20x1x1024xf32, #tpu.memory_space<vmem>>, vector<1x1x1024xf32>,
    %get3A_299 = arith.constant 4 : index
    %get3A_300 = arith.constant 0 : index
    %get3A_301 = arith.constant 0 : index
    %get3A_302 = vector.load %arg1[%get3A_299, %get3A_300, %get3A_301] : memref<20x1024x64xf32, #tpu.memory_space<vmem>>, vector<1x1024x64xf32>
    %get3A_303 = vector.shape_cast %get3A_302 : vector<1x1024x64xf32> to vector<1024x64xf32>
    %convert_element_type3A_304 = arith.truncf %get3A_303 : vector<1024x64xf32> to vector<1024x64xbf16>
    %get3A_305 = arith.constant 0 : index
    %get3A_306 = arith.constant 0 : index
    %get3A_307 = vector.load %arg2[%get3A_305, %get3A_306] : memref<64x512xbf16, #tpu.memory_space<vmem>>, vector<64x512xbf16>
    %dot_general3A_308 = arith.constant dense<0.000000e+00> : vector<1024x512xf32>
    %dot_general3A_309 = tpu.matmul %convert_element_type3A_304, %get3A_307, %dot_general3A_308 {dimension_numbers = #tpu.dot_dimension_numbers<[1], [0], [0], [1], [0, 0, 1, 1], [], []>, transpose_lhs_hint = false} : vector<1024x64xbf16>, vector<64x512xbf16>, vector<1024x512xf32> -> vector<1024x512xf32>
    %convert_element_type3A_310 = arith.truncf %mul3A_274 : vector<1024x128xf32> to vector<1024x128xbf16>
    %get3A_311 = arith.constant 0 : index
    %get3A_312 = arith.constant 0 : index
    %get3A_313 = vector.load %arg3[%get3A_311, %get3A_312] : memref<128x512xbf16, #tpu.memory_space<vmem>>, vector<128x512xbf16>
    %dot_general3A_314 = arith.constant dense<0.000000e+00> : vector<1024x512xf32>
    %dot_general3A_315 = tpu.matmul %convert_element_type3A_310, %get3A_313, %dot_general3A_314 {dimension_numbers = #tpu.dot_dimension_numbers<[1], [0], [0], [1], [0, 0, 1, 1], [], []>, transpose_lhs_hint = false} : vector<1024x128xbf16>, vector<128x512xbf16>, vector<1024x512xf32> -> vector<1024x512xf32>
    %add3A_316 = arith.addf %dot_general3A_309, %dot_general3A_315 : vector<1024x512xf32>
    %get3A_317 = arith.constant 0 : index
    %get3A_318 = arith.constant 0 : index
    %get3A_319 = vector.load %arg4[%get3A_317, %get3A_318] : memref<1x512xf32, #tpu.memory_space<vmem>>, vector<1x512xf32>
    %add3A_320 = vector.broadcast %get3A_319 : vector<1x512xf32> to vector<1024x512xf32>
    %add3A_321 = arith.addf %add3A_316, %add3A_320 : vector<1024x512xf32>
    %slice3A_322 = vector.extract_strided_slice %add3A_321 {offsets = [0, 0], sizes = [1024, 128], strides = [1, 1]} : vector<1024x512xf32> to vector<1024x128xf32>
    %logistic3A_323 = arith.negf %slice3A_322 : vector<1024x128xf32>
    %logistic3A_324 = math.exp %logistic3A_323 : vector<1024x128xf32>
    %logistic3A_325 = arith.constant 1.000000e+00 : f32
    %logistic3A_326 = vector.broadcast %logistic3A_325 : f32 to vector<1024x128xf32>
    %logistic3A_327 = arith.addf %logistic3A_326, %logistic3A_324 : vector<1024x128xf32>
    %logistic3A_328 = arith.divf %logistic3A_326, %logistic3A_327 : vector<1024x128xf32>
    %slice3A_329 = vector.extract_strided_slice %add3A_321 {offsets = [0, 128], sizes = [1024, 128], strides = [1, 1]} : vector<1024x512xf32> to vector<1024x128xf32>
    %logistic3A_330 = arith.negf %slice3A_329 : vector<1024x128xf32>
    %logistic3A_331 = math.exp %logistic3A_330 : vector<1024x128xf32>
    %logistic3A_332 = arith.constant 1.000000e+00 : f32
    %logistic3A_333 = vector.broadcast %logistic3A_332 : f32 to vector<1024x128xf32>
    %logistic3A_334 = arith.addf %logistic3A_333, %logistic3A_331 : vector<1024x128xf32>
    %logistic3A_335 = arith.divf %logistic3A_333, %logistic3A_334 : vector<1024x128xf32>
    %slice3A_336 = vector.extract_strided_slice %add3A_321 {offsets = [0, 256], sizes = [1024, 128], strides = [1, 1]} : vector<1024x512xf32> to vector<1024x128xf32>
    %tanh3A_337 = math.tanh %slice3A_336 : vector<1024x128xf32>
    %slice3A_338 = vector.extract_strided_slice %add3A_321 {offsets = [0, 384], sizes = [1024, 128], strides = [1, 1]} : vector<1024x512xf32> to vector<1024x128xf32>
    %logistic3A_339 = arith.negf %slice3A_338 : vector<1024x128xf32>
    %logistic3A_340 = math.exp %logistic3A_339 : vector<1024x128xf32>
    %logistic3A_341 = arith.constant 1.000000e+00 : f32
    %logistic3A_342 = vector.broadcast %logistic3A_341 : f32 to vector<1024x128xf32>
    %logistic3A_343 = arith.addf %logistic3A_342, %logistic3A_340 : vector<1024x128xf32>
    %logistic3A_344 = arith.divf %logistic3A_342, %logistic3A_343 : vector<1024x128xf32>
    %mul3A_345 = arith.mulf %logistic3A_335, %add3A_272 : vector<1024x128xf32>
    %mul3A_346 = arith.mulf %logistic3A_328, %tanh3A_337 : vector<1024x128xf32>
    %add3A_347 = arith.addf %mul3A_345, %mul3A_346 : vector<1024x128xf32>
    %tanh3A_348 = math.tanh %add3A_347 : vector<1024x128xf32>
    %mul3A_349 = arith.mulf %logistic3A_344, %tanh3A_348 : vector<1024x128xf32>
    %get3A_350 = arith.constant 0 : index
    %get3A_351 = arith.constant 0 : index
    %get3A_352 = vector.load %arg5[%get3A_350, %get3A_351] : memref<1x128xf32, #tpu.memory_space<vmem>>, vector<1x128xf32>
    %mul3A_353 = vector.broadcast %get3A_352 : vector<1x128xf32> to vector<1024x128xf32>
    %mul3A_354 = arith.mulf %mul3A_349, %mul3A_353 : vector<1024x128xf32>
    %reduce_sum3A_355 = arith.constant dense<0.000000e+00> : vector<1024xf32>
    %reduce_sum3A_356 = vector.multi_reduction <add>, %mul3A_354, %reduce_sum3A_355 [1] : vector<1024x128xf32> to vector<1024xf32>
    %get3A_357 = arith.constant 0 : index
    %get3A_358 = arith.constant 0 : index
    %get3A_359 = memref.load %arg6[%get3A_357, %get3A_358] : memref<1x1xf32, #tpu.memory_space<smem>>
    %add3A_360 = vector.broadcast %get3A_359 : f32 to vector<1024xf32>
    %add3A_361 = arith.addf %reduce_sum3A_356, %add3A_360 : vector<1024xf32>
    %logistic3A_362 = arith.negf %add3A_361 : vector<1024xf32>
    %logistic3A_363 = math.exp %logistic3A_362 : vector<1024xf32>
    %logistic3A_364 = arith.constant 1.000000e+00 : f32
    %logistic3A_365 = vector.broadcast %logistic3A_364 : f32 to vector<1024xf32>
    %logistic3A_366 = arith.addf %logistic3A_365, %logistic3A_363 : vector<1024xf32>
    %logistic3A_367 = arith.divf %logistic3A_365, %logistic3A_366 : vector<1024xf32>
    %swap3A_368 = arith.constant 4 : index
    %swap3A_369 = arith.constant 0 : index
    %swap3A_370 = arith.constant 0 : index
    %swap3A_371 = vector.load %arg7[%swap3A_368, %swap3A_369, %swap3A_370] : memref<20x1x1024xf32, #tpu.memory_space<vmem>>, vector<1x1x1024xf32>
    %swap3A_372 = vector.shape_cast %swap3A_371 : vector<1x1x1024xf32> to vector<1024xf32>
    %swap3A_373 = vector.shape_cast %logistic3A_367 : vector<1024xf32> to vector<1x1x1024xf32>
    tpu.vector_store %arg7[%swap3A_368, %swap3A_369, %swap3A_370], %swap3A_373 {strides = array<i32>} : memref<20x1x1024xf32, #tpu.memory_space<vmem>>, vector<1x1x1024xf32>,
    %get3A_374 = arith.constant 5 : index
    %get3A_375 = arith.constant 0 : index
    %get3A_376 = arith.constant 0 : index
    %get3A_377 = vector.load %arg1[%get3A_374, %get3A_375, %get3A_376] : memref<20x1024x64xf32, #tpu.memory_space<vmem>>, vector<1x1024x64xf32>
    %get3A_378 = vector.shape_cast %get3A_377 : vector<1x1024x64xf32> to vector<1024x64xf32>
    %convert_element_type3A_379 = arith.truncf %get3A_378 : vector<1024x64xf32> to vector<1024x64xbf16>
    %get3A_380 = arith.constant 0 : index
    %get3A_381 = arith.constant 0 : index
    %get3A_382 = vector.load %arg2[%get3A_380, %get3A_381] : memref<64x512xbf16, #tpu.memory_space<vmem>>, vector<64x512xbf16>
    %dot_general3A_383 = arith.constant dense<0.000000e+00> : vector<1024x512xf32>
    %dot_general3A_384 = tpu.matmul %convert_element_type3A_379, %get3A_382, %dot_general3A_383 {dimension_numbers = #tpu.dot_dimension_numbers<[1], [0], [0], [1], [0, 0, 1, 1], [], []>, transpose_lhs_hint = false} : vector<1024x64xbf16>, vector<64x512xbf16>, vector<1024x512xf32> -> vector<1024x512xf32>
    %convert_element_type3A_385 = arith.truncf %mul3A_349 : vector<1024x128xf32> to vector<1024x128xbf16>
    %get3A_386 = arith.constant 0 : index
    %get3A_387 = arith.constant 0 : index
    %get3A_388 = vector.load %arg3[%get3A_386, %get3A_387] : memref<128x512xbf16, #tpu.memory_space<vmem>>, vector<128x512xbf16>
    %dot_general3A_389 = arith.constant dense<0.000000e+00> : vector<1024x512xf32>
    %dot_general3A_390 = tpu.matmul %convert_element_type3A_385, %get3A_388, %dot_general3A_389 {dimension_numbers = #tpu.dot_dimension_numbers<[1], [0], [0], [1], [0, 0, 1, 1], [], []>, transpose_lhs_hint = false} : vector<1024x128xbf16>, vector<128x512xbf16>, vector<1024x512xf32> -> vector<1024x512xf32>
    %add3A_391 = arith.addf %dot_general3A_384, %dot_general3A_390 : vector<1024x512xf32>
    %get3A_392 = arith.constant 0 : index
    %get3A_393 = arith.constant 0 : index
    %get3A_394 = vector.load %arg4[%get3A_392, %get3A_393] : memref<1x512xf32, #tpu.memory_space<vmem>>, vector<1x512xf32>
    %add3A_395 = vector.broadcast %get3A_394 : vector<1x512xf32> to vector<1024x512xf32>
    %add3A_396 = arith.addf %add3A_391, %add3A_395 : vector<1024x512xf32>
    %slice3A_397 = vector.extract_strided_slice %add3A_396 {offsets = [0, 0], sizes = [1024, 128], strides = [1, 1]} : vector<1024x512xf32> to vector<1024x128xf32>
    %logistic3A_398 = arith.negf %slice3A_397 : vector<1024x128xf32>
    %logistic3A_399 = math.exp %logistic3A_398 : vector<1024x128xf32>
    %logistic3A_400 = arith.constant 1.000000e+00 : f32
    %logistic3A_401 = vector.broadcast %logistic3A_400 : f32 to vector<1024x128xf32>
    %logistic3A_402 = arith.addf %logistic3A_401, %logistic3A_399 : vector<1024x128xf32>
    %logistic3A_403 = arith.divf %logistic3A_401, %logistic3A_402 : vector<1024x128xf32>
    %slice3A_404 = vector.extract_strided_slice %add3A_396 {offsets = [0, 128], sizes = [1024, 128], strides = [1, 1]} : vector<1024x512xf32> to vector<1024x128xf32>
    %logistic3A_405 = arith.negf %slice3A_404 : vector<1024x128xf32>
    %logistic3A_406 = math.exp %logistic3A_405 : vector<1024x128xf32>
    %logistic3A_407 = arith.constant 1.000000e+00 : f32
    %logistic3A_408 = vector.broadcast %logistic3A_407 : f32 to vector<1024x128xf32>
    %logistic3A_409 = arith.addf %logistic3A_408, %logistic3A_406 : vector<1024x128xf32>
    %logistic3A_410 = arith.divf %logistic3A_408, %logistic3A_409 : vector<1024x128xf32>
    %slice3A_411 = vector.extract_strided_slice %add3A_396 {offsets = [0, 256], sizes = [1024, 128], strides = [1, 1]} : vector<1024x512xf32> to vector<1024x128xf32>
    %tanh3A_412 = math.tanh %slice3A_411 : vector<1024x128xf32>
    %slice3A_413 = vector.extract_strided_slice %add3A_396 {offsets = [0, 384], sizes = [1024, 128], strides = [1, 1]} : vector<1024x512xf32> to vector<1024x128xf32>
    %logistic3A_414 = arith.negf %slice3A_413 : vector<1024x128xf32>
    %logistic3A_415 = math.exp %logistic3A_414 : vector<1024x128xf32>
    %logistic3A_416 = arith.constant 1.000000e+00 : f32
    %logistic3A_417 = vector.broadcast %logistic3A_416 : f32 to vector<1024x128xf32>
    %logistic3A_418 = arith.addf %logistic3A_417, %logistic3A_415 : vector<1024x128xf32>
    %logistic3A_419 = arith.divf %logistic3A_417, %logistic3A_418 : vector<1024x128xf32>
    %mul3A_420 = arith.mulf %logistic3A_410, %add3A_347 : vector<1024x128xf32>
    %mul3A_421 = arith.mulf %logistic3A_403, %tanh3A_412 : vector<1024x128xf32>
    %add3A_422 = arith.addf %mul3A_420, %mul3A_421 : vector<1024x128xf32>
    %tanh3A_423 = math.tanh %add3A_422 : vector<1024x128xf32>
    %mul3A_424 = arith.mulf %logistic3A_419, %tanh3A_423 : vector<1024x128xf32>
    %get3A_425 = arith.constant 0 : index
    %get3A_426 = arith.constant 0 : index
    %get3A_427 = vector.load %arg5[%get3A_425, %get3A_426] : memref<1x128xf32, #tpu.memory_space<vmem>>, vector<1x128xf32>
    %mul3A_428 = vector.broadcast %get3A_427 : vector<1x128xf32> to vector<1024x128xf32>
    %mul3A_429 = arith.mulf %mul3A_424, %mul3A_428 : vector<1024x128xf32>
    %reduce_sum3A_430 = arith.constant dense<0.000000e+00> : vector<1024xf32>
    %reduce_sum3A_431 = vector.multi_reduction <add>, %mul3A_429, %reduce_sum3A_430 [1] : vector<1024x128xf32> to vector<1024xf32>
    %get3A_432 = arith.constant 0 : index
    %get3A_433 = arith.constant 0 : index
    %get3A_434 = memref.load %arg6[%get3A_432, %get3A_433] : memref<1x1xf32, #tpu.memory_space<smem>>
    %add3A_435 = vector.broadcast %get3A_434 : f32 to vector<1024xf32>
    %add3A_436 = arith.addf %reduce_sum3A_431, %add3A_435 : vector<1024xf32>
    %logistic3A_437 = arith.negf %add3A_436 : vector<1024xf32>
    %logistic3A_438 = math.exp %logistic3A_437 : vector<1024xf32>
    %logistic3A_439 = arith.constant 1.000000e+00 : f32
    %logistic3A_440 = vector.broadcast %logistic3A_439 : f32 to vector<1024xf32>
    %logistic3A_441 = arith.addf %logistic3A_440, %logistic3A_438 : vector<1024xf32>
    %logistic3A_442 = arith.divf %logistic3A_440, %logistic3A_441 : vector<1024xf32>
    %swap3A_443 = arith.constant 5 : index
    %swap3A_444 = arith.constant 0 : index
    %swap3A_445 = arith.constant 0 : index
    %swap3A_446 = vector.load %arg7[%swap3A_443, %swap3A_444, %swap3A_445] : memref<20x1x1024xf32, #tpu.memory_space<vmem>>, vector<1x1x1024xf32>
    %swap3A_447 = vector.shape_cast %swap3A_446 : vector<1x1x1024xf32> to vector<1024xf32>
    %swap3A_448 = vector.shape_cast %logistic3A_442 : vector<1024xf32> to vector<1x1x1024xf32>
    tpu.vector_store %arg7[%swap3A_443, %swap3A_444, %swap3A_445], %swap3A_448 {strides = array<i32>} : memref<20x1x1024xf32, #tpu.memory_space<vmem>>, vector<1x1x1024xf32>,
    %get3A_449 = arith.constant 6 : index
    %get3A_450 = arith.constant 0 : index
    %get3A_451 = arith.constant 0 : index
    %get3A_452 = vector.load %arg1[%get3A_449, %get3A_450, %get3A_451] : memref<20x1024x64xf32, #tpu.memory_space<vmem>>, vector<1x1024x64xf32>
    %get3A_453 = vector.shape_cast %get3A_452 : vector<1x1024x64xf32> to vector<1024x64xf32>
    %convert_element_type3A_454 = arith.truncf %get3A_453 : vector<1024x64xf32> to vector<1024x64xbf16>
    %get3A_455 = arith.constant 0 : index
    %get3A_456 = arith.constant 0 : index
    %get3A_457 = vector.load %arg2[%get3A_455, %get3A_456] : memref<64x512xbf16, #tpu.memory_space<vmem>>, vector<64x512xbf16>
    %dot_general3A_458 = arith.constant dense<0.000000e+00> : vector<1024x512xf32>
    %dot_general3A_459 = tpu.matmul %convert_element_type3A_454, %get3A_457, %dot_general3A_458 {dimension_numbers = #tpu.dot_dimension_numbers<[1], [0], [0], [1], [0, 0, 1, 1], [], []>, transpose_lhs_hint = false} : vector<1024x64xbf16>, vector<64x512xbf16>, vector<1024x512xf32> -> vector<1024x512xf32>
    %convert_element_type3A_460 = arith.truncf %mul3A_424 : vector<1024x128xf32> to vector<1024x128xbf16>
    %get3A_461 = arith.constant 0 : index
    %get3A_462 = arith.constant 0 : index
    %get3A_463 = vector.load %arg3[%get3A_461, %get3A_462] : memref<128x512xbf16, #tpu.memory_space<vmem>>, vector<128x512xbf16>
    %dot_general3A_464 = arith.constant dense<0.000000e+00> : vector<1024x512xf32>
    %dot_general3A_465 = tpu.matmul %convert_element_type3A_460, %get3A_463, %dot_general3A_464 {dimension_numbers = #tpu.dot_dimension_numbers<[1], [0], [0], [1], [0, 0, 1, 1], [], []>, transpose_lhs_hint = false} : vector<1024x128xbf16>, vector<128x512xbf16>, vector<1024x512xf32> -> vector<1024x512xf32>
    %add3A_466 = arith.addf %dot_general3A_459, %dot_general3A_465 : vector<1024x512xf32>
    %get3A_467 = arith.constant 0 : index
    %get3A_468 = arith.constant 0 : index
    %get3A_469 = vector.load %arg4[%get3A_467, %get3A_468] : memref<1x512xf32, #tpu.memory_space<vmem>>, vector<1x512xf32>
    %add3A_470 = vector.broadcast %get3A_469 : vector<1x512xf32> to vector<1024x512xf32>
    %add3A_471 = arith.addf %add3A_466, %add3A_470 : vector<1024x512xf32>
    %slice3A_472 = vector.extract_strided_slice %add3A_471 {offsets = [0, 0], sizes = [1024, 128], strides = [1, 1]} : vector<1024x512xf32> to vector<1024x128xf32>
    %logistic3A_473 = arith.negf %slice3A_472 : vector<1024x128xf32>
    %logistic3A_474 = math.exp %logistic3A_473 : vector<1024x128xf32>
    %logistic3A_475 = arith.constant 1.000000e+00 : f32
    %logistic3A_476 = vector.broadcast %logistic3A_475 : f32 to vector<1024x128xf32>
    %logistic3A_477 = arith.addf %logistic3A_476, %logistic3A_474 : vector<1024x128xf32>
    %logistic3A_478 = arith.divf %logistic3A_476, %logistic3A_477 : vector<1024x128xf32>
    %slice3A_479 = vector.extract_strided_slice %add3A_471 {offsets = [0, 128], sizes = [1024, 128], strides = [1, 1]} : vector<1024x512xf32> to vector<1024x128xf32>
    %logistic3A_480 = arith.negf %slice3A_479 : vector<1024x128xf32>
    %logistic3A_481 = math.exp %logistic3A_480 : vector<1024x128xf32>
    %logistic3A_482 = arith.constant 1.000000e+00 : f32
    %logistic3A_483 = vector.broadcast %logistic3A_482 : f32 to vector<1024x128xf32>
    %logistic3A_484 = arith.addf %logistic3A_483, %logistic3A_481 : vector<1024x128xf32>
    %logistic3A_485 = arith.divf %logistic3A_483, %logistic3A_484 : vector<1024x128xf32>
    %slice3A_486 = vector.extract_strided_slice %add3A_471 {offsets = [0, 256], sizes = [1024, 128], strides = [1, 1]} : vector<1024x512xf32> to vector<1024x128xf32>
    %tanh3A_487 = math.tanh %slice3A_486 : vector<1024x128xf32>
    %slice3A_488 = vector.extract_strided_slice %add3A_471 {offsets = [0, 384], sizes = [1024, 128], strides = [1, 1]} : vector<1024x512xf32> to vector<1024x128xf32>
    %logistic3A_489 = arith.negf %slice3A_488 : vector<1024x128xf32>
    %logistic3A_490 = math.exp %logistic3A_489 : vector<1024x128xf32>
    %logistic3A_491 = arith.constant 1.000000e+00 : f32
    %logistic3A_492 = vector.broadcast %logistic3A_491 : f32 to vector<1024x128xf32>
    %logistic3A_493 = arith.addf %logistic3A_492, %logistic3A_490 : vector<1024x128xf32>
    %logistic3A_494 = arith.divf %logistic3A_492, %logistic3A_493 : vector<1024x128xf32>
    %mul3A_495 = arith.mulf %logistic3A_485, %add3A_422 : vector<1024x128xf32>
    %mul3A_496 = arith.mulf %logistic3A_478, %tanh3A_487 : vector<1024x128xf32>
    %add3A_497 = arith.addf %mul3A_495, %mul3A_496 : vector<1024x128xf32>
    %tanh3A_498 = math.tanh %add3A_497 : vector<1024x128xf32>
    %mul3A_499 = arith.mulf %logistic3A_494, %tanh3A_498 : vector<1024x128xf32>
    %get3A_500 = arith.constant 0 : index
    %get3A_501 = arith.constant 0 : index
    %get3A_502 = vector.load %arg5[%get3A_500, %get3A_501] : memref<1x128xf32, #tpu.memory_space<vmem>>, vector<1x128xf32>
    %mul3A_503 = vector.broadcast %get3A_502 : vector<1x128xf32> to vector<1024x128xf32>
    %mul3A_504 = arith.mulf %mul3A_499, %mul3A_503 : vector<1024x128xf32>
    %reduce_sum3A_505 = arith.constant dense<0.000000e+00> : vector<1024xf32>
    %reduce_sum3A_506 = vector.multi_reduction <add>, %mul3A_504, %reduce_sum3A_505 [1] : vector<1024x128xf32> to vector<1024xf32>
    %get3A_507 = arith.constant 0 : index
    %get3A_508 = arith.constant 0 : index
    %get3A_509 = memref.load %arg6[%get3A_507, %get3A_508] : memref<1x1xf32, #tpu.memory_space<smem>>
    %add3A_510 = vector.broadcast %get3A_509 : f32 to vector<1024xf32>
    %add3A_511 = arith.addf %reduce_sum3A_506, %add3A_510 : vector<1024xf32>
    %logistic3A_512 = arith.negf %add3A_511 : vector<1024xf32>
    %logistic3A_513 = math.exp %logistic3A_512 : vector<1024xf32>
    %logistic3A_514 = arith.constant 1.000000e+00 : f32
    %logistic3A_515 = vector.broadcast %logistic3A_514 : f32 to vector<1024xf32>
    %logistic3A_516 = arith.addf %logistic3A_515, %logistic3A_513 : vector<1024xf32>
    %logistic3A_517 = arith.divf %logistic3A_515, %logistic3A_516 : vector<1024xf32>
    %swap3A_518 = arith.constant 6 : index
    %swap3A_519 = arith.constant 0 : index
    %swap3A_520 = arith.constant 0 : index
    %swap3A_521 = vector.load %arg7[%swap3A_518, %swap3A_519, %swap3A_520] : memref<20x1x1024xf32, #tpu.memory_space<vmem>>, vector<1x1x1024xf32>
    %swap3A_522 = vector.shape_cast %swap3A_521 : vector<1x1x1024xf32> to vector<1024xf32>
    %swap3A_523 = vector.shape_cast %logistic3A_517 : vector<1024xf32> to vector<1x1x1024xf32>
    tpu.vector_store %arg7[%swap3A_518, %swap3A_519, %swap3A_520], %swap3A_523 {strides = array<i32>} : memref<20x1x1024xf32, #tpu.memory_space<vmem>>, vector<1x1x1024xf32>,
    %get3A_524 = arith.constant 7 : index
    %get3A_525 = arith.constant 0 : index
    %get3A_526 = arith.constant 0 : index
    %get3A_527 = vector.load %arg1[%get3A_524, %get3A_525, %get3A_526] : memref<20x1024x64xf32, #tpu.memory_space<vmem>>, vector<1x1024x64xf32>
    %get3A_528 = vector.shape_cast %get3A_527 : vector<1x1024x64xf32> to vector<1024x64xf32>
    %convert_element_type3A_529 = arith.truncf %get3A_528 : vector<1024x64xf32> to vector<1024x64xbf16>
    %get3A_530 = arith.constant 0 : index
    %get3A_531 = arith.constant 0 : index
    %get3A_532 = vector.load %arg2[%get3A_530, %get3A_531] : memref<64x512xbf16, #tpu.memory_space<vmem>>, vector<64x512xbf16>
    %dot_general3A_533 = arith.constant dense<0.000000e+00> : vector<1024x512xf32>
    %dot_general3A_534 = tpu.matmul %convert_element_type3A_529, %get3A_532, %dot_general3A_533 {dimension_numbers = #tpu.dot_dimension_numbers<[1], [0], [0], [1], [0, 0, 1, 1], [], []>, transpose_lhs_hint = false} : vector<1024x64xbf16>, vector<64x512xbf16>, vector<1024x512xf32> -> vector<1024x512xf32>
    %convert_element_type3A_535 = arith.truncf %mul3A_499 : vector<1024x128xf32> to vector<1024x128xbf16>
    %get3A_536 = arith.constant 0 : index
    %get3A_537 = arith.constant 0 : index
    %get3A_538 = vector.load %arg3[%get3A_536, %get3A_537] : memref<128x512xbf16, #tpu.memory_space<vmem>>, vector<128x512xbf16>
    %dot_general3A_539 = arith.constant dense<0.000000e+00> : vector<1024x512xf32>
    %dot_general3A_540 = tpu.matmul %convert_element_type3A_535, %get3A_538, %dot_general3A_539 {dimension_numbers = #tpu.dot_dimension_numbers<[1], [0], [0], [1], [0, 0, 1, 1], [], []>, transpose_lhs_hint = false} : vector<1024x128xbf16>, vector<128x512xbf16>, vector<1024x512xf32> -> vector<1024x512xf32>
    %add3A_541 = arith.addf %dot_general3A_534, %dot_general3A_540 : vector<1024x512xf32>
    %get3A_542 = arith.constant 0 : index
    %get3A_543 = arith.constant 0 : index
    %get3A_544 = vector.load %arg4[%get3A_542, %get3A_543] : memref<1x512xf32, #tpu.memory_space<vmem>>, vector<1x512xf32>
    %add3A_545 = vector.broadcast %get3A_544 : vector<1x512xf32> to vector<1024x512xf32>
    %add3A_546 = arith.addf %add3A_541, %add3A_545 : vector<1024x512xf32>
    %slice3A_547 = vector.extract_strided_slice %add3A_546 {offsets = [0, 0], sizes = [1024, 128], strides = [1, 1]} : vector<1024x512xf32> to vector<1024x128xf32>
    %logistic3A_548 = arith.negf %slice3A_547 : vector<1024x128xf32>
    %logistic3A_549 = math.exp %logistic3A_548 : vector<1024x128xf32>
    %logistic3A_550 = arith.constant 1.000000e+00 : f32
    %logistic3A_551 = vector.broadcast %logistic3A_550 : f32 to vector<1024x128xf32>
    %logistic3A_552 = arith.addf %logistic3A_551, %logistic3A_549 : vector<1024x128xf32>
    %logistic3A_553 = arith.divf %logistic3A_551, %logistic3A_552 : vector<1024x128xf32>
    %slice3A_554 = vector.extract_strided_slice %add3A_546 {offsets = [0, 128], sizes = [1024, 128], strides = [1, 1]} : vector<1024x512xf32> to vector<1024x128xf32>
    %logistic3A_555 = arith.negf %slice3A_554 : vector<1024x128xf32>
    %logistic3A_556 = math.exp %logistic3A_555 : vector<1024x128xf32>
    %logistic3A_557 = arith.constant 1.000000e+00 : f32
    %logistic3A_558 = vector.broadcast %logistic3A_557 : f32 to vector<1024x128xf32>
    %logistic3A_559 = arith.addf %logistic3A_558, %logistic3A_556 : vector<1024x128xf32>
    %logistic3A_560 = arith.divf %logistic3A_558, %logistic3A_559 : vector<1024x128xf32>
    %slice3A_561 = vector.extract_strided_slice %add3A_546 {offsets = [0, 256], sizes = [1024, 128], strides = [1, 1]} : vector<1024x512xf32> to vector<1024x128xf32>
    %tanh3A_562 = math.tanh %slice3A_561 : vector<1024x128xf32>
    %slice3A_563 = vector.extract_strided_slice %add3A_546 {offsets = [0, 384], sizes = [1024, 128], strides = [1, 1]} : vector<1024x512xf32> to vector<1024x128xf32>
    %logistic3A_564 = arith.negf %slice3A_563 : vector<1024x128xf32>
    %logistic3A_565 = math.exp %logistic3A_564 : vector<1024x128xf32>
    %logistic3A_566 = arith.constant 1.000000e+00 : f32
    %logistic3A_567 = vector.broadcast %logistic3A_566 : f32 to vector<1024x128xf32>
    %logistic3A_568 = arith.addf %logistic3A_567, %logistic3A_565 : vector<1024x128xf32>
    %logistic3A_569 = arith.divf %logistic3A_567, %logistic3A_568 : vector<1024x128xf32>
    %mul3A_570 = arith.mulf %logistic3A_560, %add3A_497 : vector<1024x128xf32>
    %mul3A_571 = arith.mulf %logistic3A_553, %tanh3A_562 : vector<1024x128xf32>
    %add3A_572 = arith.addf %mul3A_570, %mul3A_571 : vector<1024x128xf32>
    %tanh3A_573 = math.tanh %add3A_572 : vector<1024x128xf32>
    %mul3A_574 = arith.mulf %logistic3A_569, %tanh3A_573 : vector<1024x128xf32>
    %get3A_575 = arith.constant 0 : index
    %get3A_576 = arith.constant 0 : index
    %get3A_577 = vector.load %arg5[%get3A_575, %get3A_576] : memref<1x128xf32, #tpu.memory_space<vmem>>, vector<1x128xf32>
    %mul3A_578 = vector.broadcast %get3A_577 : vector<1x128xf32> to vector<1024x128xf32>
    %mul3A_579 = arith.mulf %mul3A_574, %mul3A_578 : vector<1024x128xf32>
    %reduce_sum3A_580 = arith.constant dense<0.000000e+00> : vector<1024xf32>
    %reduce_sum3A_581 = vector.multi_reduction <add>, %mul3A_579, %reduce_sum3A_580 [1] : vector<1024x128xf32> to vector<1024xf32>
    %get3A_582 = arith.constant 0 : index
    %get3A_583 = arith.constant 0 : index
    %get3A_584 = memref.load %arg6[%get3A_582, %get3A_583] : memref<1x1xf32, #tpu.memory_space<smem>>
    %add3A_585 = vector.broadcast %get3A_584 : f32 to vector<1024xf32>
    %add3A_586 = arith.addf %reduce_sum3A_581, %add3A_585 : vector<1024xf32>
    %logistic3A_587 = arith.negf %add3A_586 : vector<1024xf32>
    %logistic3A_588 = math.exp %logistic3A_587 : vector<1024xf32>
    %logistic3A_589 = arith.constant 1.000000e+00 : f32
    %logistic3A_590 = vector.broadcast %logistic3A_589 : f32 to vector<1024xf32>
    %logistic3A_591 = arith.addf %logistic3A_590, %logistic3A_588 : vector<1024xf32>
    %logistic3A_592 = arith.divf %logistic3A_590, %logistic3A_591 : vector<1024xf32>
    %swap3A_593 = arith.constant 7 : index
    %swap3A_594 = arith.constant 0 : index
    %swap3A_595 = arith.constant 0 : index
    %swap3A_596 = vector.load %arg7[%swap3A_593, %swap3A_594, %swap3A_595] : memref<20x1x1024xf32, #tpu.memory_space<vmem>>, vector<1x1x1024xf32>
    %swap3A_597 = vector.shape_cast %swap3A_596 : vector<1x1x1024xf32> to vector<1024xf32>
    %swap3A_598 = vector.shape_cast %logistic3A_592 : vector<1024xf32> to vector<1x1x1024xf32>
    tpu.vector_store %arg7[%swap3A_593, %swap3A_594, %swap3A_595], %swap3A_598 {strides = array<i32>} : memref<20x1x1024xf32, #tpu.memory_space<vmem>>, vector<1x1x1024xf32>,
    %get3A_599 = arith.constant 8 : index
    %get3A_600 = arith.constant 0 : index
    %get3A_601 = arith.constant 0 : index
    %get3A_602 = vector.load %arg1[%get3A_599, %get3A_600, %get3A_601] : memref<20x1024x64xf32, #tpu.memory_space<vmem>>, vector<1x1024x64xf32>
    %get3A_603 = vector.shape_cast %get3A_602 : vector<1x1024x64xf32> to vector<1024x64xf32>
    %convert_element_type3A_604 = arith.truncf %get3A_603 : vector<1024x64xf32> to vector<1024x64xbf16>
    %get3A_605 = arith.constant 0 : index
    %get3A_606 = arith.constant 0 : index
    %get3A_607 = vector.load %arg2[%get3A_605, %get3A_606] : memref<64x512xbf16, #tpu.memory_space<vmem>>, vector<64x512xbf16>
    %dot_general3A_608 = arith.constant dense<0.000000e+00> : vector<1024x512xf32>
    %dot_general3A_609 = tpu.matmul %convert_element_type3A_604, %get3A_607, %dot_general3A_608 {dimension_numbers = #tpu.dot_dimension_numbers<[1], [0], [0], [1], [0, 0, 1, 1], [], []>, transpose_lhs_hint = false} : vector<1024x64xbf16>, vector<64x512xbf16>, vector<1024x512xf32> -> vector<1024x512xf32>
    %convert_element_type3A_610 = arith.truncf %mul3A_574 : vector<1024x128xf32> to vector<1024x128xbf16>
    %get3A_611 = arith.constant 0 : index
    %get3A_612 = arith.constant 0 : index
    %get3A_613 = vector.load %arg3[%get3A_611, %get3A_612] : memref<128x512xbf16, #tpu.memory_space<vmem>>, vector<128x512xbf16>
    %dot_general3A_614 = arith.constant dense<0.000000e+00> : vector<1024x512xf32>
    %dot_general3A_615 = tpu.matmul %convert_element_type3A_610, %get3A_613, %dot_general3A_614 {dimension_numbers = #tpu.dot_dimension_numbers<[1], [0], [0], [1], [0, 0, 1, 1], [], []>, transpose_lhs_hint = false} : vector<1024x128xbf16>, vector<128x512xbf16>, vector<1024x512xf32> -> vector<1024x512xf32>
    %add3A_616 = arith.addf %dot_general3A_609, %dot_general3A_615 : vector<1024x512xf32>
    %get3A_617 = arith.constant 0 : index
    %get3A_618 = arith.constant 0 : index
    %get3A_619 = vector.load %arg4[%get3A_617, %get3A_618] : memref<1x512xf32, #tpu.memory_space<vmem>>, vector<1x512xf32>
    %add3A_620 = vector.broadcast %get3A_619 : vector<1x512xf32> to vector<1024x512xf32>
    %add3A_621 = arith.addf %add3A_616, %add3A_620 : vector<1024x512xf32>
    %slice3A_622 = vector.extract_strided_slice %add3A_621 {offsets = [0, 0], sizes = [1024, 128], strides = [1, 1]} : vector<1024x512xf32> to vector<1024x128xf32>
    %logistic3A_623 = arith.negf %slice3A_622 : vector<1024x128xf32>
    %logistic3A_624 = math.exp %logistic3A_623 : vector<1024x128xf32>
    %logistic3A_625 = arith.constant 1.000000e+00 : f32
    %logistic3A_626 = vector.broadcast %logistic3A_625 : f32 to vector<1024x128xf32>
    %logistic3A_627 = arith.addf %logistic3A_626, %logistic3A_624 : vector<1024x128xf32>
    %logistic3A_628 = arith.divf %logistic3A_626, %logistic3A_627 : vector<1024x128xf32>
    %slice3A_629 = vector.extract_strided_slice %add3A_621 {offsets = [0, 128], sizes = [1024, 128], strides = [1, 1]} : vector<1024x512xf32> to vector<1024x128xf32>
    %logistic3A_630 = arith.negf %slice3A_629 : vector<1024x128xf32>
    %logistic3A_631 = math.exp %logistic3A_630 : vector<1024x128xf32>
    %logistic3A_632 = arith.constant 1.000000e+00 : f32
    %logistic3A_633 = vector.broadcast %logistic3A_632 : f32 to vector<1024x128xf32>
    %logistic3A_634 = arith.addf %logistic3A_633, %logistic3A_631 : vector<1024x128xf32>
    %logistic3A_635 = arith.divf %logistic3A_633, %logistic3A_634 : vector<1024x128xf32>
    %slice3A_636 = vector.extract_strided_slice %add3A_621 {offsets = [0, 256], sizes = [1024, 128], strides = [1, 1]} : vector<1024x512xf32> to vector<1024x128xf32>
    %tanh3A_637 = math.tanh %slice3A_636 : vector<1024x128xf32>
    %slice3A_638 = vector.extract_strided_slice %add3A_621 {offsets = [0, 384], sizes = [1024, 128], strides = [1, 1]} : vector<1024x512xf32> to vector<1024x128xf32>
    %logistic3A_639 = arith.negf %slice3A_638 : vector<1024x128xf32>
    %logistic3A_640 = math.exp %logistic3A_639 : vector<1024x128xf32>
    %logistic3A_641 = arith.constant 1.000000e+00 : f32
    %logistic3A_642 = vector.broadcast %logistic3A_641 : f32 to vector<1024x128xf32>
    %logistic3A_643 = arith.addf %logistic3A_642, %logistic3A_640 : vector<1024x128xf32>
    %logistic3A_644 = arith.divf %logistic3A_642, %logistic3A_643 : vector<1024x128xf32>
    %mul3A_645 = arith.mulf %logistic3A_635, %add3A_572 : vector<1024x128xf32>
    %mul3A_646 = arith.mulf %logistic3A_628, %tanh3A_637 : vector<1024x128xf32>
    %add3A_647 = arith.addf %mul3A_645, %mul3A_646 : vector<1024x128xf32>
    %tanh3A_648 = math.tanh %add3A_647 : vector<1024x128xf32>
    %mul3A_649 = arith.mulf %logistic3A_644, %tanh3A_648 : vector<1024x128xf32>
    %get3A_650 = arith.constant 0 : index
    %get3A_651 = arith.constant 0 : index
    %get3A_652 = vector.load %arg5[%get3A_650, %get3A_651] : memref<1x128xf32, #tpu.memory_space<vmem>>, vector<1x128xf32>
    %mul3A_653 = vector.broadcast %get3A_652 : vector<1x128xf32> to vector<1024x128xf32>
    %mul3A_654 = arith.mulf %mul3A_649, %mul3A_653 : vector<1024x128xf32>
    %reduce_sum3A_655 = arith.constant dense<0.000000e+00> : vector<1024xf32>
    %reduce_sum3A_656 = vector.multi_reduction <add>, %mul3A_654, %reduce_sum3A_655 [1] : vector<1024x128xf32> to vector<1024xf32>
    %get3A_657 = arith.constant 0 : index
    %get3A_658 = arith.constant 0 : index
    %get3A_659 = memref.load %arg6[%get3A_657, %get3A_658] : memref<1x1xf32, #tpu.memory_space<smem>>
    %add3A_660 = vector.broadcast %get3A_659 : f32 to vector<1024xf32>
    %add3A_661 = arith.addf %reduce_sum3A_656, %add3A_660 : vector<1024xf32>
    %logistic3A_662 = arith.negf %add3A_661 : vector<1024xf32>
    %logistic3A_663 = math.exp %logistic3A_662 : vector<1024xf32>
    %logistic3A_664 = arith.constant 1.000000e+00 : f32
    %logistic3A_665 = vector.broadcast %logistic3A_664 : f32 to vector<1024xf32>
    %logistic3A_666 = arith.addf %logistic3A_665, %logistic3A_663 : vector<1024xf32>
    %logistic3A_667 = arith.divf %logistic3A_665, %logistic3A_666 : vector<1024xf32>
    %swap3A_668 = arith.constant 8 : index
    %swap3A_669 = arith.constant 0 : index
    %swap3A_670 = arith.constant 0 : index
    %swap3A_671 = vector.load %arg7[%swap3A_668, %swap3A_669, %swap3A_670] : memref<20x1x1024xf32, #tpu.memory_space<vmem>>, vector<1x1x1024xf32>
    %swap3A_672 = vector.shape_cast %swap3A_671 : vector<1x1x1024xf32> to vector<1024xf32>
    %swap3A_673 = vector.shape_cast %logistic3A_667 : vector<1024xf32> to vector<1x1x1024xf32>
    tpu.vector_store %arg7[%swap3A_668, %swap3A_669, %swap3A_670], %swap3A_673 {strides = array<i32>} : memref<20x1x1024xf32, #tpu.memory_space<vmem>>, vector<1x1x1024xf32>,
    %get3A_674 = arith.constant 9 : index
    %get3A_675 = arith.constant 0 : index
    %get3A_676 = arith.constant 0 : index
    %get3A_677 = vector.load %arg1[%get3A_674, %get3A_675, %get3A_676] : memref<20x1024x64xf32, #tpu.memory_space<vmem>>, vector<1x1024x64xf32>
    %get3A_678 = vector.shape_cast %get3A_677 : vector<1x1024x64xf32> to vector<1024x64xf32>
    %convert_element_type3A_679 = arith.truncf %get3A_678 : vector<1024x64xf32> to vector<1024x64xbf16>
    %get3A_680 = arith.constant 0 : index
    %get3A_681 = arith.constant 0 : index
    %get3A_682 = vector.load %arg2[%get3A_680, %get3A_681] : memref<64x512xbf16, #tpu.memory_space<vmem>>, vector<64x512xbf16>
    %dot_general3A_683 = arith.constant dense<0.000000e+00> : vector<1024x512xf32>
    %dot_general3A_684 = tpu.matmul %convert_element_type3A_679, %get3A_682, %dot_general3A_683 {dimension_numbers = #tpu.dot_dimension_numbers<[1], [0], [0], [1], [0, 0, 1, 1], [], []>, transpose_lhs_hint = false} : vector<1024x64xbf16>, vector<64x512xbf16>, vector<1024x512xf32> -> vector<1024x512xf32>
    %convert_element_type3A_685 = arith.truncf %mul3A_649 : vector<1024x128xf32> to vector<1024x128xbf16>
    %get3A_686 = arith.constant 0 : index
    %get3A_687 = arith.constant 0 : index
    %get3A_688 = vector.load %arg3[%get3A_686, %get3A_687] : memref<128x512xbf16, #tpu.memory_space<vmem>>, vector<128x512xbf16>
    %dot_general3A_689 = arith.constant dense<0.000000e+00> : vector<1024x512xf32>
    %dot_general3A_690 = tpu.matmul %convert_element_type3A_685, %get3A_688, %dot_general3A_689 {dimension_numbers = #tpu.dot_dimension_numbers<[1], [0], [0], [1], [0, 0, 1, 1], [], []>, transpose_lhs_hint = false} : vector<1024x128xbf16>, vector<128x512xbf16>, vector<1024x512xf32> -> vector<1024x512xf32>
    %add3A_691 = arith.addf %dot_general3A_684, %dot_general3A_690 : vector<1024x512xf32>
    %get3A_692 = arith.constant 0 : index
    %get3A_693 = arith.constant 0 : index
    %get3A_694 = vector.load %arg4[%get3A_692, %get3A_693] : memref<1x512xf32, #tpu.memory_space<vmem>>, vector<1x512xf32>
    %add3A_695 = vector.broadcast %get3A_694 : vector<1x512xf32> to vector<1024x512xf32>
    %add3A_696 = arith.addf %add3A_691, %add3A_695 : vector<1024x512xf32>
    %slice3A_697 = vector.extract_strided_slice %add3A_696 {offsets = [0, 0], sizes = [1024, 128], strides = [1, 1]} : vector<1024x512xf32> to vector<1024x128xf32>
    %logistic3A_698 = arith.negf %slice3A_697 : vector<1024x128xf32>
    %logistic3A_699 = math.exp %logistic3A_698 : vector<1024x128xf32>
    %logistic3A_700 = arith.constant 1.000000e+00 : f32
    %logistic3A_701 = vector.broadcast %logistic3A_700 : f32 to vector<1024x128xf32>
    %logistic3A_702 = arith.addf %logistic3A_701, %logistic3A_699 : vector<1024x128xf32>
    %logistic3A_703 = arith.divf %logistic3A_701, %logistic3A_702 : vector<1024x128xf32>
    %slice3A_704 = vector.extract_strided_slice %add3A_696 {offsets = [0, 128], sizes = [1024, 128], strides = [1, 1]} : vector<1024x512xf32> to vector<1024x128xf32>
    %logistic3A_705 = arith.negf %slice3A_704 : vector<1024x128xf32>
    %logistic3A_706 = math.exp %logistic3A_705 : vector<1024x128xf32>
    %logistic3A_707 = arith.constant 1.000000e+00 : f32
    %logistic3A_708 = vector.broadcast %logistic3A_707 : f32 to vector<1024x128xf32>
    %logistic3A_709 = arith.addf %logistic3A_708, %logistic3A_706 : vector<1024x128xf32>
    %logistic3A_710 = arith.divf %logistic3A_708, %logistic3A_709 : vector<1024x128xf32>
    %slice3A_711 = vector.extract_strided_slice %add3A_696 {offsets = [0, 256], sizes = [1024, 128], strides = [1, 1]} : vector<1024x512xf32> to vector<1024x128xf32>
    %tanh3A_712 = math.tanh %slice3A_711 : vector<1024x128xf32>
    %slice3A_713 = vector.extract_strided_slice %add3A_696 {offsets = [0, 384], sizes = [1024, 128], strides = [1, 1]} : vector<1024x512xf32> to vector<1024x128xf32>
    %logistic3A_714 = arith.negf %slice3A_713 : vector<1024x128xf32>
    %logistic3A_715 = math.exp %logistic3A_714 : vector<1024x128xf32>
    %logistic3A_716 = arith.constant 1.000000e+00 : f32
    %logistic3A_717 = vector.broadcast %logistic3A_716 : f32 to vector<1024x128xf32>
    %logistic3A_718 = arith.addf %logistic3A_717, %logistic3A_715 : vector<1024x128xf32>
    %logistic3A_719 = arith.divf %logistic3A_717, %logistic3A_718 : vector<1024x128xf32>
    %mul3A_720 = arith.mulf %logistic3A_710, %add3A_647 : vector<1024x128xf32>
    %mul3A_721 = arith.mulf %logistic3A_703, %tanh3A_712 : vector<1024x128xf32>
    %add3A_722 = arith.addf %mul3A_720, %mul3A_721 : vector<1024x128xf32>
    %tanh3A_723 = math.tanh %add3A_722 : vector<1024x128xf32>
    %mul3A_724 = arith.mulf %logistic3A_719, %tanh3A_723 : vector<1024x128xf32>
    %get3A_725 = arith.constant 0 : index
    %get3A_726 = arith.constant 0 : index
    %get3A_727 = vector.load %arg5[%get3A_725, %get3A_726] : memref<1x128xf32, #tpu.memory_space<vmem>>, vector<1x128xf32>
    %mul3A_728 = vector.broadcast %get3A_727 : vector<1x128xf32> to vector<1024x128xf32>
    %mul3A_729 = arith.mulf %mul3A_724, %mul3A_728 : vector<1024x128xf32>
    %reduce_sum3A_730 = arith.constant dense<0.000000e+00> : vector<1024xf32>
    %reduce_sum3A_731 = vector.multi_reduction <add>, %mul3A_729, %reduce_sum3A_730 [1] : vector<1024x128xf32> to vector<1024xf32>
    %get3A_732 = arith.constant 0 : index
    %get3A_733 = arith.constant 0 : index
    %get3A_734 = memref.load %arg6[%get3A_732, %get3A_733] : memref<1x1xf32, #tpu.memory_space<smem>>
    %add3A_735 = vector.broadcast %get3A_734 : f32 to vector<1024xf32>
    %add3A_736 = arith.addf %reduce_sum3A_731, %add3A_735 : vector<1024xf32>
    %logistic3A_737 = arith.negf %add3A_736 : vector<1024xf32>
    %logistic3A_738 = math.exp %logistic3A_737 : vector<1024xf32>
    %logistic3A_739 = arith.constant 1.000000e+00 : f32
    %logistic3A_740 = vector.broadcast %logistic3A_739 : f32 to vector<1024xf32>
    %logistic3A_741 = arith.addf %logistic3A_740, %logistic3A_738 : vector<1024xf32>
    %logistic3A_742 = arith.divf %logistic3A_740, %logistic3A_741 : vector<1024xf32>
    %swap3A_743 = arith.constant 9 : index
    %swap3A_744 = arith.constant 0 : index
    %swap3A_745 = arith.constant 0 : index
    %swap3A_746 = vector.load %arg7[%swap3A_743, %swap3A_744, %swap3A_745] : memref<20x1x1024xf32, #tpu.memory_space<vmem>>, vector<1x1x1024xf32>
    %swap3A_747 = vector.shape_cast %swap3A_746 : vector<1x1x1024xf32> to vector<1024xf32>
    %swap3A_748 = vector.shape_cast %logistic3A_742 : vector<1024xf32> to vector<1x1x1024xf32>
    tpu.vector_store %arg7[%swap3A_743, %swap3A_744, %swap3A_745], %swap3A_748 {strides = array<i32>} : memref<20x1x1024xf32, #tpu.memory_space<vmem>>, vector<1x1x1024xf32>,
    %get3A_749 = arith.constant 10 : index
    %get3A_750 = arith.constant 0 : index
    %get3A_751 = arith.constant 0 : index
    %get3A_752 = vector.load %arg1[%get3A_749, %get3A_750, %get3A_751] : memref<20x1024x64xf32, #tpu.memory_space<vmem>>, vector<1x1024x64xf32>
    %get3A_753 = vector.shape_cast %get3A_752 : vector<1x1024x64xf32> to vector<1024x64xf32>
    %convert_element_type3A_754 = arith.truncf %get3A_753 : vector<1024x64xf32> to vector<1024x64xbf16>
    %get3A_755 = arith.constant 0 : index
    %get3A_756 = arith.constant 0 : index
    %get3A_757 = vector.load %arg2[%get3A_755, %get3A_756] : memref<64x512xbf16, #tpu.memory_space<vmem>>, vector<64x512xbf16>
    %dot_general3A_758 = arith.constant dense<0.000000e+00> : vector<1024x512xf32>
    %dot_general3A_759 = tpu.matmul %convert_element_type3A_754, %get3A_757, %dot_general3A_758 {dimension_numbers = #tpu.dot_dimension_numbers<[1], [0], [0], [1], [0, 0, 1, 1], [], []>, transpose_lhs_hint = false} : vector<1024x64xbf16>, vector<64x512xbf16>, vector<1024x512xf32> -> vector<1024x512xf32>
    %convert_element_type3A_760 = arith.truncf %mul3A_724 : vector<1024x128xf32> to vector<1024x128xbf16>
    %get3A_761 = arith.constant 0 : index
    %get3A_762 = arith.constant 0 : index
    %get3A_763 = vector.load %arg3[%get3A_761, %get3A_762] : memref<128x512xbf16, #tpu.memory_space<vmem>>, vector<128x512xbf16>
    %dot_general3A_764 = arith.constant dense<0.000000e+00> : vector<1024x512xf32>
    %dot_general3A_765 = tpu.matmul %convert_element_type3A_760, %get3A_763, %dot_general3A_764 {dimension_numbers = #tpu.dot_dimension_numbers<[1], [0], [0], [1], [0, 0, 1, 1], [], []>, transpose_lhs_hint = false} : vector<1024x128xbf16>, vector<128x512xbf16>, vector<1024x512xf32> -> vector<1024x512xf32>
    %add3A_766 = arith.addf %dot_general3A_759, %dot_general3A_765 : vector<1024x512xf32>
    %get3A_767 = arith.constant 0 : index
    %get3A_768 = arith.constant 0 : index
    %get3A_769 = vector.load %arg4[%get3A_767, %get3A_768] : memref<1x512xf32, #tpu.memory_space<vmem>>, vector<1x512xf32>
    %add3A_770 = vector.broadcast %get3A_769 : vector<1x512xf32> to vector<1024x512xf32>
    %add3A_771 = arith.addf %add3A_766, %add3A_770 : vector<1024x512xf32>
    %slice3A_772 = vector.extract_strided_slice %add3A_771 {offsets = [0, 0], sizes = [1024, 128], strides = [1, 1]} : vector<1024x512xf32> to vector<1024x128xf32>
    %logistic3A_773 = arith.negf %slice3A_772 : vector<1024x128xf32>
    %logistic3A_774 = math.exp %logistic3A_773 : vector<1024x128xf32>
    %logistic3A_775 = arith.constant 1.000000e+00 : f32
    %logistic3A_776 = vector.broadcast %logistic3A_775 : f32 to vector<1024x128xf32>
    %logistic3A_777 = arith.addf %logistic3A_776, %logistic3A_774 : vector<1024x128xf32>
    %logistic3A_778 = arith.divf %logistic3A_776, %logistic3A_777 : vector<1024x128xf32>
    %slice3A_779 = vector.extract_strided_slice %add3A_771 {offsets = [0, 128], sizes = [1024, 128], strides = [1, 1]} : vector<1024x512xf32> to vector<1024x128xf32>
    %logistic3A_780 = arith.negf %slice3A_779 : vector<1024x128xf32>
    %logistic3A_781 = math.exp %logistic3A_780 : vector<1024x128xf32>
    %logistic3A_782 = arith.constant 1.000000e+00 : f32
    %logistic3A_783 = vector.broadcast %logistic3A_782 : f32 to vector<1024x128xf32>
    %logistic3A_784 = arith.addf %logistic3A_783, %logistic3A_781 : vector<1024x128xf32>
    %logistic3A_785 = arith.divf %logistic3A_783, %logistic3A_784 : vector<1024x128xf32>
    %slice3A_786 = vector.extract_strided_slice %add3A_771 {offsets = [0, 256], sizes = [1024, 128], strides = [1, 1]} : vector<1024x512xf32> to vector<1024x128xf32>
    %tanh3A_787 = math.tanh %slice3A_786 : vector<1024x128xf32>
    %slice3A_788 = vector.extract_strided_slice %add3A_771 {offsets = [0, 384], sizes = [1024, 128], strides = [1, 1]} : vector<1024x512xf32> to vector<1024x128xf32>
    %logistic3A_789 = arith.negf %slice3A_788 : vector<1024x128xf32>
    %logistic3A_790 = math.exp %logistic3A_789 : vector<1024x128xf32>
    %logistic3A_791 = arith.constant 1.000000e+00 : f32
    %logistic3A_792 = vector.broadcast %logistic3A_791 : f32 to vector<1024x128xf32>
    %logistic3A_793 = arith.addf %logistic3A_792, %logistic3A_790 : vector<1024x128xf32>
    %logistic3A_794 = arith.divf %logistic3A_792, %logistic3A_793 : vector<1024x128xf32>
    %mul3A_795 = arith.mulf %logistic3A_785, %add3A_722 : vector<1024x128xf32>
    %mul3A_796 = arith.mulf %logistic3A_778, %tanh3A_787 : vector<1024x128xf32>
    %add3A_797 = arith.addf %mul3A_795, %mul3A_796 : vector<1024x128xf32>
    %tanh3A_798 = math.tanh %add3A_797 : vector<1024x128xf32>
    %mul3A_799 = arith.mulf %logistic3A_794, %tanh3A_798 : vector<1024x128xf32>
    %get3A_800 = arith.constant 0 : index
    %get3A_801 = arith.constant 0 : index
    %get3A_802 = vector.load %arg5[%get3A_800, %get3A_801] : memref<1x128xf32, #tpu.memory_space<vmem>>, vector<1x128xf32>
    %mul3A_803 = vector.broadcast %get3A_802 : vector<1x128xf32> to vector<1024x128xf32>
    %mul3A_804 = arith.mulf %mul3A_799, %mul3A_803 : vector<1024x128xf32>
    %reduce_sum3A_805 = arith.constant dense<0.000000e+00> : vector<1024xf32>
    %reduce_sum3A_806 = vector.multi_reduction <add>, %mul3A_804, %reduce_sum3A_805 [1] : vector<1024x128xf32> to vector<1024xf32>
    %get3A_807 = arith.constant 0 : index
    %get3A_808 = arith.constant 0 : index
    %get3A_809 = memref.load %arg6[%get3A_807, %get3A_808] : memref<1x1xf32, #tpu.memory_space<smem>>
    %add3A_810 = vector.broadcast %get3A_809 : f32 to vector<1024xf32>
    %add3A_811 = arith.addf %reduce_sum3A_806, %add3A_810 : vector<1024xf32>
    %logistic3A_812 = arith.negf %add3A_811 : vector<1024xf32>
    %logistic3A_813 = math.exp %logistic3A_812 : vector<1024xf32>
    %logistic3A_814 = arith.constant 1.000000e+00 : f32
    %logistic3A_815 = vector.broadcast %logistic3A_814 : f32 to vector<1024xf32>
    %logistic3A_816 = arith.addf %logistic3A_815, %logistic3A_813 : vector<1024xf32>
    %logistic3A_817 = arith.divf %logistic3A_815, %logistic3A_816 : vector<1024xf32>
    %swap3A_818 = arith.constant 10 : index
    %swap3A_819 = arith.constant 0 : index
    %swap3A_820 = arith.constant 0 : index
    %swap3A_821 = vector.load %arg7[%swap3A_818, %swap3A_819, %swap3A_820] : memref<20x1x1024xf32, #tpu.memory_space<vmem>>, vector<1x1x1024xf32>
    %swap3A_822 = vector.shape_cast %swap3A_821 : vector<1x1x1024xf32> to vector<1024xf32>
    %swap3A_823 = vector.shape_cast %logistic3A_817 : vector<1024xf32> to vector<1x1x1024xf32>
    tpu.vector_store %arg7[%swap3A_818, %swap3A_819, %swap3A_820], %swap3A_823 {strides = array<i32>} : memref<20x1x1024xf32, #tpu.memory_space<vmem>>, vector<1x1x1024xf32>,
    %get3A_824 = arith.constant 11 : index
    %get3A_825 = arith.constant 0 : index
    %get3A_826 = arith.constant 0 : index
    %get3A_827 = vector.load %arg1[%get3A_824, %get3A_825, %get3A_826] : memref<20x1024x64xf32, #tpu.memory_space<vmem>>, vector<1x1024x64xf32>
    %get3A_828 = vector.shape_cast %get3A_827 : vector<1x1024x64xf32> to vector<1024x64xf32>
    %convert_element_type3A_829 = arith.truncf %get3A_828 : vector<1024x64xf32> to vector<1024x64xbf16>
    %get3A_830 = arith.constant 0 : index
    %get3A_831 = arith.constant 0 : index
    %get3A_832 = vector.load %arg2[%get3A_830, %get3A_831] : memref<64x512xbf16, #tpu.memory_space<vmem>>, vector<64x512xbf16>
    %dot_general3A_833 = arith.constant dense<0.000000e+00> : vector<1024x512xf32>
    %dot_general3A_834 = tpu.matmul %convert_element_type3A_829, %get3A_832, %dot_general3A_833 {dimension_numbers = #tpu.dot_dimension_numbers<[1], [0], [0], [1], [0, 0, 1, 1], [], []>, transpose_lhs_hint = false} : vector<1024x64xbf16>, vector<64x512xbf16>, vector<1024x512xf32> -> vector<1024x512xf32>
    %convert_element_type3A_835 = arith.truncf %mul3A_799 : vector<1024x128xf32> to vector<1024x128xbf16>
    %get3A_836 = arith.constant 0 : index
    %get3A_837 = arith.constant 0 : index
    %get3A_838 = vector.load %arg3[%get3A_836, %get3A_837] : memref<128x512xbf16, #tpu.memory_space<vmem>>, vector<128x512xbf16>
    %dot_general3A_839 = arith.constant dense<0.000000e+00> : vector<1024x512xf32>
    %dot_general3A_840 = tpu.matmul %convert_element_type3A_835, %get3A_838, %dot_general3A_839 {dimension_numbers = #tpu.dot_dimension_numbers<[1], [0], [0], [1], [0, 0, 1, 1], [], []>, transpose_lhs_hint = false} : vector<1024x128xbf16>, vector<128x512xbf16>, vector<1024x512xf32> -> vector<1024x512xf32>
    %add3A_841 = arith.addf %dot_general3A_834, %dot_general3A_840 : vector<1024x512xf32>
    %get3A_842 = arith.constant 0 : index
    %get3A_843 = arith.constant 0 : index
    %get3A_844 = vector.load %arg4[%get3A_842, %get3A_843] : memref<1x512xf32, #tpu.memory_space<vmem>>, vector<1x512xf32>
    %add3A_845 = vector.broadcast %get3A_844 : vector<1x512xf32> to vector<1024x512xf32>
    %add3A_846 = arith.addf %add3A_841, %add3A_845 : vector<1024x512xf32>
    %slice3A_847 = vector.extract_strided_slice %add3A_846 {offsets = [0, 0], sizes = [1024, 128], strides = [1, 1]} : vector<1024x512xf32> to vector<1024x128xf32>
    %logistic3A_848 = arith.negf %slice3A_847 : vector<1024x128xf32>
    %logistic3A_849 = math.exp %logistic3A_848 : vector<1024x128xf32>
    %logistic3A_850 = arith.constant 1.000000e+00 : f32
    %logistic3A_851 = vector.broadcast %logistic3A_850 : f32 to vector<1024x128xf32>
    %logistic3A_852 = arith.addf %logistic3A_851, %logistic3A_849 : vector<1024x128xf32>
    %logistic3A_853 = arith.divf %logistic3A_851, %logistic3A_852 : vector<1024x128xf32>
    %slice3A_854 = vector.extract_strided_slice %add3A_846 {offsets = [0, 128], sizes = [1024, 128], strides = [1, 1]} : vector<1024x512xf32> to vector<1024x128xf32>
    %logistic3A_855 = arith.negf %slice3A_854 : vector<1024x128xf32>
    %logistic3A_856 = math.exp %logistic3A_855 : vector<1024x128xf32>
    %logistic3A_857 = arith.constant 1.000000e+00 : f32
    %logistic3A_858 = vector.broadcast %logistic3A_857 : f32 to vector<1024x128xf32>
    %logistic3A_859 = arith.addf %logistic3A_858, %logistic3A_856 : vector<1024x128xf32>
    %logistic3A_860 = arith.divf %logistic3A_858, %logistic3A_859 : vector<1024x128xf32>
    %slice3A_861 = vector.extract_strided_slice %add3A_846 {offsets = [0, 256], sizes = [1024, 128], strides = [1, 1]} : vector<1024x512xf32> to vector<1024x128xf32>
    %tanh3A_862 = math.tanh %slice3A_861 : vector<1024x128xf32>
    %slice3A_863 = vector.extract_strided_slice %add3A_846 {offsets = [0, 384], sizes = [1024, 128], strides = [1, 1]} : vector<1024x512xf32> to vector<1024x128xf32>
    %logistic3A_864 = arith.negf %slice3A_863 : vector<1024x128xf32>
    %logistic3A_865 = math.exp %logistic3A_864 : vector<1024x128xf32>
    %logistic3A_866 = arith.constant 1.000000e+00 : f32
    %logistic3A_867 = vector.broadcast %logistic3A_866 : f32 to vector<1024x128xf32>
    %logistic3A_868 = arith.addf %logistic3A_867, %logistic3A_865 : vector<1024x128xf32>
    %logistic3A_869 = arith.divf %logistic3A_867, %logistic3A_868 : vector<1024x128xf32>
    %mul3A_870 = arith.mulf %logistic3A_860, %add3A_797 : vector<1024x128xf32>
    %mul3A_871 = arith.mulf %logistic3A_853, %tanh3A_862 : vector<1024x128xf32>
    %add3A_872 = arith.addf %mul3A_870, %mul3A_871 : vector<1024x128xf32>
    %tanh3A_873 = math.tanh %add3A_872 : vector<1024x128xf32>
    %mul3A_874 = arith.mulf %logistic3A_869, %tanh3A_873 : vector<1024x128xf32>
    %get3A_875 = arith.constant 0 : index
    %get3A_876 = arith.constant 0 : index
    %get3A_877 = vector.load %arg5[%get3A_875, %get3A_876] : memref<1x128xf32, #tpu.memory_space<vmem>>, vector<1x128xf32>
    %mul3A_878 = vector.broadcast %get3A_877 : vector<1x128xf32> to vector<1024x128xf32>
    %mul3A_879 = arith.mulf %mul3A_874, %mul3A_878 : vector<1024x128xf32>
    %reduce_sum3A_880 = arith.constant dense<0.000000e+00> : vector<1024xf32>
    %reduce_sum3A_881 = vector.multi_reduction <add>, %mul3A_879, %reduce_sum3A_880 [1] : vector<1024x128xf32> to vector<1024xf32>
    %get3A_882 = arith.constant 0 : index
    %get3A_883 = arith.constant 0 : index
    %get3A_884 = memref.load %arg6[%get3A_882, %get3A_883] : memref<1x1xf32, #tpu.memory_space<smem>>
    %add3A_885 = vector.broadcast %get3A_884 : f32 to vector<1024xf32>
    %add3A_886 = arith.addf %reduce_sum3A_881, %add3A_885 : vector<1024xf32>
    %logistic3A_887 = arith.negf %add3A_886 : vector<1024xf32>
    %logistic3A_888 = math.exp %logistic3A_887 : vector<1024xf32>
    %logistic3A_889 = arith.constant 1.000000e+00 : f32
    %logistic3A_890 = vector.broadcast %logistic3A_889 : f32 to vector<1024xf32>
    %logistic3A_891 = arith.addf %logistic3A_890, %logistic3A_888 : vector<1024xf32>
    %logistic3A_892 = arith.divf %logistic3A_890, %logistic3A_891 : vector<1024xf32>
    %swap3A_893 = arith.constant 11 : index
    %swap3A_894 = arith.constant 0 : index
    %swap3A_895 = arith.constant 0 : index
    %swap3A_896 = vector.load %arg7[%swap3A_893, %swap3A_894, %swap3A_895] : memref<20x1x1024xf32, #tpu.memory_space<vmem>>, vector<1x1x1024xf32>
    %swap3A_897 = vector.shape_cast %swap3A_896 : vector<1x1x1024xf32> to vector<1024xf32>
    %swap3A_898 = vector.shape_cast %logistic3A_892 : vector<1024xf32> to vector<1x1x1024xf32>
    tpu.vector_store %arg7[%swap3A_893, %swap3A_894, %swap3A_895], %swap3A_898 {strides = array<i32>} : memref<20x1x1024xf32, #tpu.memory_space<vmem>>, vector<1x1x1024xf32>,
    %get3A_899 = arith.constant 12 : index
    %get3A_900 = arith.constant 0 : index
    %get3A_901 = arith.constant 0 : index
    %get3A_902 = vector.load %arg1[%get3A_899, %get3A_900, %get3A_901] : memref<20x1024x64xf32, #tpu.memory_space<vmem>>, vector<1x1024x64xf32>
    %get3A_903 = vector.shape_cast %get3A_902 : vector<1x1024x64xf32> to vector<1024x64xf32>
    %convert_element_type3A_904 = arith.truncf %get3A_903 : vector<1024x64xf32> to vector<1024x64xbf16>
    %get3A_905 = arith.constant 0 : index
    %get3A_906 = arith.constant 0 : index
    %get3A_907 = vector.load %arg2[%get3A_905, %get3A_906] : memref<64x512xbf16, #tpu.memory_space<vmem>>, vector<64x512xbf16>
    %dot_general3A_908 = arith.constant dense<0.000000e+00> : vector<1024x512xf32>
    %dot_general3A_909 = tpu.matmul %convert_element_type3A_904, %get3A_907, %dot_general3A_908 {dimension_numbers = #tpu.dot_dimension_numbers<[1], [0], [0], [1], [0, 0, 1, 1], [], []>, transpose_lhs_hint = false} : vector<1024x64xbf16>, vector<64x512xbf16>, vector<1024x512xf32> -> vector<1024x512xf32>
    %convert_element_type3A_910 = arith.truncf %mul3A_874 : vector<1024x128xf32> to vector<1024x128xbf16>
    %get3A_911 = arith.constant 0 : index
    %get3A_912 = arith.constant 0 : index
    %get3A_913 = vector.load %arg3[%get3A_911, %get3A_912] : memref<128x512xbf16, #tpu.memory_space<vmem>>, vector<128x512xbf16>
    %dot_general3A_914 = arith.constant dense<0.000000e+00> : vector<1024x512xf32>
    %dot_general3A_915 = tpu.matmul %convert_element_type3A_910, %get3A_913, %dot_general3A_914 {dimension_numbers = #tpu.dot_dimension_numbers<[1], [0], [0], [1], [0, 0, 1, 1], [], []>, transpose_lhs_hint = false} : vector<1024x128xbf16>, vector<128x512xbf16>, vector<1024x512xf32> -> vector<1024x512xf32>
    %add3A_916 = arith.addf %dot_general3A_909, %dot_general3A_915 : vector<1024x512xf32>
    %get3A_917 = arith.constant 0 : index
    %get3A_918 = arith.constant 0 : index
    %get3A_919 = vector.load %arg4[%get3A_917, %get3A_918] : memref<1x512xf32, #tpu.memory_space<vmem>>, vector<1x512xf32>
    %add3A_920 = vector.broadcast %get3A_919 : vector<1x512xf32> to vector<1024x512xf32>
    %add3A_921 = arith.addf %add3A_916, %add3A_920 : vector<1024x512xf32>
    %slice3A_922 = vector.extract_strided_slice %add3A_921 {offsets = [0, 0], sizes = [1024, 128], strides = [1, 1]} : vector<1024x512xf32> to vector<1024x128xf32>
    %logistic3A_923 = arith.negf %slice3A_922 : vector<1024x128xf32>
    %logistic3A_924 = math.exp %logistic3A_923 : vector<1024x128xf32>
    %logistic3A_925 = arith.constant 1.000000e+00 : f32
    %logistic3A_926 = vector.broadcast %logistic3A_925 : f32 to vector<1024x128xf32>
    %logistic3A_927 = arith.addf %logistic3A_926, %logistic3A_924 : vector<1024x128xf32>
    %logistic3A_928 = arith.divf %logistic3A_926, %logistic3A_927 : vector<1024x128xf32>
    %slice3A_929 = vector.extract_strided_slice %add3A_921 {offsets = [0, 128], sizes = [1024, 128], strides = [1, 1]} : vector<1024x512xf32> to vector<1024x128xf32>
    %logistic3A_930 = arith.negf %slice3A_929 : vector<1024x128xf32>
    %logistic3A_931 = math.exp %logistic3A_930 : vector<1024x128xf32>
    %logistic3A_932 = arith.constant 1.000000e+00 : f32
    %logistic3A_933 = vector.broadcast %logistic3A_932 : f32 to vector<1024x128xf32>
    %logistic3A_934 = arith.addf %logistic3A_933, %logistic3A_931 : vector<1024x128xf32>
    %logistic3A_935 = arith.divf %logistic3A_933, %logistic3A_934 : vector<1024x128xf32>
    %slice3A_936 = vector.extract_strided_slice %add3A_921 {offsets = [0, 256], sizes = [1024, 128], strides = [1, 1]} : vector<1024x512xf32> to vector<1024x128xf32>
    %tanh3A_937 = math.tanh %slice3A_936 : vector<1024x128xf32>
    %slice3A_938 = vector.extract_strided_slice %add3A_921 {offsets = [0, 384], sizes = [1024, 128], strides = [1, 1]} : vector<1024x512xf32> to vector<1024x128xf32>
    %logistic3A_939 = arith.negf %slice3A_938 : vector<1024x128xf32>
    %logistic3A_940 = math.exp %logistic3A_939 : vector<1024x128xf32>
    %logistic3A_941 = arith.constant 1.000000e+00 : f32
    %logistic3A_942 = vector.broadcast %logistic3A_941 : f32 to vector<1024x128xf32>
    %logistic3A_943 = arith.addf %logistic3A_942, %logistic3A_940 : vector<1024x128xf32>
    %logistic3A_944 = arith.divf %logistic3A_942, %logistic3A_943 : vector<1024x128xf32>
    %mul3A_945 = arith.mulf %logistic3A_935, %add3A_872 : vector<1024x128xf32>
    %mul3A_946 = arith.mulf %logistic3A_928, %tanh3A_937 : vector<1024x128xf32>
    %add3A_947 = arith.addf %mul3A_945, %mul3A_946 : vector<1024x128xf32>
    %tanh3A_948 = math.tanh %add3A_947 : vector<1024x128xf32>
    %mul3A_949 = arith.mulf %logistic3A_944, %tanh3A_948 : vector<1024x128xf32>
    %get3A_950 = arith.constant 0 : index
    %get3A_951 = arith.constant 0 : index
    %get3A_952 = vector.load %arg5[%get3A_950, %get3A_951] : memref<1x128xf32, #tpu.memory_space<vmem>>, vector<1x128xf32>
    %mul3A_953 = vector.broadcast %get3A_952 : vector<1x128xf32> to vector<1024x128xf32>
    %mul3A_954 = arith.mulf %mul3A_949, %mul3A_953 : vector<1024x128xf32>
    %reduce_sum3A_955 = arith.constant dense<0.000000e+00> : vector<1024xf32>
    %reduce_sum3A_956 = vector.multi_reduction <add>, %mul3A_954, %reduce_sum3A_955 [1] : vector<1024x128xf32> to vector<1024xf32>
    %get3A_957 = arith.constant 0 : index
    %get3A_958 = arith.constant 0 : index
    %get3A_959 = memref.load %arg6[%get3A_957, %get3A_958] : memref<1x1xf32, #tpu.memory_space<smem>>
    %add3A_960 = vector.broadcast %get3A_959 : f32 to vector<1024xf32>
    %add3A_961 = arith.addf %reduce_sum3A_956, %add3A_960 : vector<1024xf32>
    %logistic3A_962 = arith.negf %add3A_961 : vector<1024xf32>
    %logistic3A_963 = math.exp %logistic3A_962 : vector<1024xf32>
    %logistic3A_964 = arith.constant 1.000000e+00 : f32
    %logistic3A_965 = vector.broadcast %logistic3A_964 : f32 to vector<1024xf32>
    %logistic3A_966 = arith.addf %logistic3A_965, %logistic3A_963 : vector<1024xf32>
    %logistic3A_967 = arith.divf %logistic3A_965, %logistic3A_966 : vector<1024xf32>
    %swap3A_968 = arith.constant 12 : index
    %swap3A_969 = arith.constant 0 : index
    %swap3A_970 = arith.constant 0 : index
    %swap3A_971 = vector.load %arg7[%swap3A_968, %swap3A_969, %swap3A_970] : memref<20x1x1024xf32, #tpu.memory_space<vmem>>, vector<1x1x1024xf32>
    %swap3A_972 = vector.shape_cast %swap3A_971 : vector<1x1x1024xf32> to vector<1024xf32>
    %swap3A_973 = vector.shape_cast %logistic3A_967 : vector<1024xf32> to vector<1x1x1024xf32>
    tpu.vector_store %arg7[%swap3A_968, %swap3A_969, %swap3A_970], %swap3A_973 {strides = array<i32>} : memref<20x1x1024xf32, #tpu.memory_space<vmem>>, vector<1x1x1024xf32>,
    %get3A_974 = arith.constant 13 : index
    %get3A_975 = arith.constant 0 : index
    %get3A_976 = arith.constant 0 : index
    %get3A_977 = vector.load %arg1[%get3A_974, %get3A_975, %get3A_976] : memref<20x1024x64xf32, #tpu.memory_space<vmem>>, vector<1x1024x64xf32>
    %get3A_978 = vector.shape_cast %get3A_977 : vector<1x1024x64xf32> to vector<1024x64xf32>
    %convert_element_type3A_979 = arith.truncf %get3A_978 : vector<1024x64xf32> to vector<1024x64xbf16>
    %get3A_980 = arith.constant 0 : index
    %get3A_981 = arith.constant 0 : index
    %get3A_982 = vector.load %arg2[%get3A_980, %get3A_981] : memref<64x512xbf16, #tpu.memory_space<vmem>>, vector<64x512xbf16>
    %dot_general3A_983 = arith.constant dense<0.000000e+00> : vector<1024x512xf32>
    %dot_general3A_984 = tpu.matmul %convert_element_type3A_979, %get3A_982, %dot_general3A_983 {dimension_numbers = #tpu.dot_dimension_numbers<[1], [0], [0], [1], [0, 0, 1, 1], [], []>, transpose_lhs_hint = false} : vector<1024x64xbf16>, vector<64x512xbf16>, vector<1024x512xf32> -> vector<1024x512xf32>
    %convert_element_type3A_985 = arith.truncf %mul3A_949 : vector<1024x128xf32> to vector<1024x128xbf16>
    %get3A_986 = arith.constant 0 : index
    %get3A_987 = arith.constant 0 : index
    %get3A_988 = vector.load %arg3[%get3A_986, %get3A_987] : memref<128x512xbf16, #tpu.memory_space<vmem>>, vector<128x512xbf16>
    %dot_general3A_989 = arith.constant dense<0.000000e+00> : vector<1024x512xf32>
    %dot_general3A_990 = tpu.matmul %convert_element_type3A_985, %get3A_988, %dot_general3A_989 {dimension_numbers = #tpu.dot_dimension_numbers<[1], [0], [0], [1], [0, 0, 1, 1], [], []>, transpose_lhs_hint = false} : vector<1024x128xbf16>, vector<128x512xbf16>, vector<1024x512xf32> -> vector<1024x512xf32>
    %add3A_991 = arith.addf %dot_general3A_984, %dot_general3A_990 : vector<1024x512xf32>
    %get3A_992 = arith.constant 0 : index
    %get3A_993 = arith.constant 0 : index
    %get3A_994 = vector.load %arg4[%get3A_992, %get3A_993] : memref<1x512xf32, #tpu.memory_space<vmem>>, vector<1x512xf32>
    %add3A_995 = vector.broadcast %get3A_994 : vector<1x512xf32> to vector<1024x512xf32>
    %add3A_996 = arith.addf %add3A_991, %add3A_995 : vector<1024x512xf32>
    %slice3A_997 = vector.extract_strided_slice %add3A_996 {offsets = [0, 0], sizes = [1024, 128], strides = [1, 1]} : vector<1024x512xf32> to vector<1024x128xf32>
    %logistic3A_998 = arith.negf %slice3A_997 : vector<1024x128xf32>
    %logistic3A_999 = math.exp %logistic3A_998 : vector<1024x128xf32>
    %logistic3A_1000 = arith.constant 1.000000e+00 : f32
    %logistic3A_1001 = vector.broadcast %logistic3A_1000 : f32 to vector<1024x128xf32>
    %logistic3A_1002 = arith.addf %logistic3A_1001, %logistic3A_999 : vector<1024x128xf32>
    %logistic3A_1003 = arith.divf %logistic3A_1001, %logistic3A_1002 : vector<1024x128xf32>
    %slice3A_1004 = vector.extract_strided_slice %add3A_996 {offsets = [0, 128], sizes = [1024, 128], strides = [1, 1]} : vector<1024x512xf32> to vector<1024x128xf32>
    %logistic3A_1005 = arith.negf %slice3A_1004 : vector<1024x128xf32>
    %logistic3A_1006 = math.exp %logistic3A_1005 : vector<1024x128xf32>
    %logistic3A_1007 = arith.constant 1.000000e+00 : f32
    %logistic3A_1008 = vector.broadcast %logistic3A_1007 : f32 to vector<1024x128xf32>
    %logistic3A_1009 = arith.addf %logistic3A_1008, %logistic3A_1006 : vector<1024x128xf32>
    %logistic3A_1010 = arith.divf %logistic3A_1008, %logistic3A_1009 : vector<1024x128xf32>
    %slice3A_1011 = vector.extract_strided_slice %add3A_996 {offsets = [0, 256], sizes = [1024, 128], strides = [1, 1]} : vector<1024x512xf32> to vector<1024x128xf32>
    %tanh3A_1012 = math.tanh %slice3A_1011 : vector<1024x128xf32>
    %slice3A_1013 = vector.extract_strided_slice %add3A_996 {offsets = [0, 384], sizes = [1024, 128], strides = [1, 1]} : vector<1024x512xf32> to vector<1024x128xf32>
    %logistic3A_1014 = arith.negf %slice3A_1013 : vector<1024x128xf32>
    %logistic3A_1015 = math.exp %logistic3A_1014 : vector<1024x128xf32>
    %logistic3A_1016 = arith.constant 1.000000e+00 : f32
    %logistic3A_1017 = vector.broadcast %logistic3A_1016 : f32 to vector<1024x128xf32>
    %logistic3A_1018 = arith.addf %logistic3A_1017, %logistic3A_1015 : vector<1024x128xf32>
    %logistic3A_1019 = arith.divf %logistic3A_1017, %logistic3A_1018 : vector<1024x128xf32>
    %mul3A_1020 = arith.mulf %logistic3A_1010, %add3A_947 : vector<1024x128xf32>
    %mul3A_1021 = arith.mulf %logistic3A_1003, %tanh3A_1012 : vector<1024x128xf32>
    %add3A_1022 = arith.addf %mul3A_1020, %mul3A_1021 : vector<1024x128xf32>
    %tanh3A_1023 = math.tanh %add3A_1022 : vector<1024x128xf32>
    %mul3A_1024 = arith.mulf %logistic3A_1019, %tanh3A_1023 : vector<1024x128xf32>
    %get3A_1025 = arith.constant 0 : index
    %get3A_1026 = arith.constant 0 : index
    %get3A_1027 = vector.load %arg5[%get3A_1025, %get3A_1026] : memref<1x128xf32, #tpu.memory_space<vmem>>, vector<1x128xf32>
    %mul3A_1028 = vector.broadcast %get3A_1027 : vector<1x128xf32> to vector<1024x128xf32>
    %mul3A_1029 = arith.mulf %mul3A_1024, %mul3A_1028 : vector<1024x128xf32>
    %reduce_sum3A_1030 = arith.constant dense<0.000000e+00> : vector<1024xf32>
    %reduce_sum3A_1031 = vector.multi_reduction <add>, %mul3A_1029, %reduce_sum3A_1030 [1] : vector<1024x128xf32> to vector<1024xf32>
    %get3A_1032 = arith.constant 0 : index
    %get3A_1033 = arith.constant 0 : index
    %get3A_1034 = memref.load %arg6[%get3A_1032, %get3A_1033] : memref<1x1xf32, #tpu.memory_space<smem>>
    %add3A_1035 = vector.broadcast %get3A_1034 : f32 to vector<1024xf32>
    %add3A_1036 = arith.addf %reduce_sum3A_1031, %add3A_1035 : vector<1024xf32>
    %logistic3A_1037 = arith.negf %add3A_1036 : vector<1024xf32>
    %logistic3A_1038 = math.exp %logistic3A_1037 : vector<1024xf32>
    %logistic3A_1039 = arith.constant 1.000000e+00 : f32
    %logistic3A_1040 = vector.broadcast %logistic3A_1039 : f32 to vector<1024xf32>
    %logistic3A_1041 = arith.addf %logistic3A_1040, %logistic3A_1038 : vector<1024xf32>
    %logistic3A_1042 = arith.divf %logistic3A_1040, %logistic3A_1041 : vector<1024xf32>
    %swap3A_1043 = arith.constant 13 : index
    %swap3A_1044 = arith.constant 0 : index
    %swap3A_1045 = arith.constant 0 : index
    %swap3A_1046 = vector.load %arg7[%swap3A_1043, %swap3A_1044, %swap3A_1045] : memref<20x1x1024xf32, #tpu.memory_space<vmem>>, vector<1x1x1024xf32>
    %swap3A_1047 = vector.shape_cast %swap3A_1046 : vector<1x1x1024xf32> to vector<1024xf32>
    %swap3A_1048 = vector.shape_cast %logistic3A_1042 : vector<1024xf32> to vector<1x1x1024xf32>
    tpu.vector_store %arg7[%swap3A_1043, %swap3A_1044, %swap3A_1045], %swap3A_1048 {strides = array<i32>} : memref<20x1x1024xf32, #tpu.memory_space<vmem>>, vector<1x1x1024xf32>,
    %get3A_1049 = arith.constant 14 : index
    %get3A_1050 = arith.constant 0 : index
    %get3A_1051 = arith.constant 0 : index
    %get3A_1052 = vector.load %arg1[%get3A_1049, %get3A_1050, %get3A_1051] : memref<20x1024x64xf32, #tpu.memory_space<vmem>>, vector<1x1024x64xf32>
    %get3A_1053 = vector.shape_cast %get3A_1052 : vector<1x1024x64xf32> to vector<1024x64xf32>
    %convert_element_type3A_1054 = arith.truncf %get3A_1053 : vector<1024x64xf32> to vector<1024x64xbf16>
    %get3A_1055 = arith.constant 0 : index
    %get3A_1056 = arith.constant 0 : index
    %get3A_1057 = vector.load %arg2[%get3A_1055, %get3A_1056] : memref<64x512xbf16, #tpu.memory_space<vmem>>, vector<64x512xbf16>
    %dot_general3A_1058 = arith.constant dense<0.000000e+00> : vector<1024x512xf32>
    %dot_general3A_1059 = tpu.matmul %convert_element_type3A_1054, %get3A_1057, %dot_general3A_1058 {dimension_numbers = #tpu.dot_dimension_numbers<[1], [0], [0], [1], [0, 0, 1, 1], [], []>, transpose_lhs_hint = false} : vector<1024x64xbf16>, vector<64x512xbf16>, vector<1024x512xf32> -> vector<1024x512xf32>
    %convert_element_type3A_1060 = arith.truncf %mul3A_1024 : vector<1024x128xf32> to vector<1024x128xbf16>
    %get3A_1061 = arith.constant 0 : index
    %get3A_1062 = arith.constant 0 : index
    %get3A_1063 = vector.load %arg3[%get3A_1061, %get3A_1062] : memref<128x512xbf16, #tpu.memory_space<vmem>>, vector<128x512xbf16>
    %dot_general3A_1064 = arith.constant dense<0.000000e+00> : vector<1024x512xf32>
    %dot_general3A_1065 = tpu.matmul %convert_element_type3A_1060, %get3A_1063, %dot_general3A_1064 {dimension_numbers = #tpu.dot_dimension_numbers<[1], [0], [0], [1], [0, 0, 1, 1], [], []>, transpose_lhs_hint = false} : vector<1024x128xbf16>, vector<128x512xbf16>, vector<1024x512xf32> -> vector<1024x512xf32>
    %add3A_1066 = arith.addf %dot_general3A_1059, %dot_general3A_1065 : vector<1024x512xf32>
    %get3A_1067 = arith.constant 0 : index
    %get3A_1068 = arith.constant 0 : index
    %get3A_1069 = vector.load %arg4[%get3A_1067, %get3A_1068] : memref<1x512xf32, #tpu.memory_space<vmem>>, vector<1x512xf32>
    %add3A_1070 = vector.broadcast %get3A_1069 : vector<1x512xf32> to vector<1024x512xf32>
    %add3A_1071 = arith.addf %add3A_1066, %add3A_1070 : vector<1024x512xf32>
    %slice3A_1072 = vector.extract_strided_slice %add3A_1071 {offsets = [0, 0], sizes = [1024, 128], strides = [1, 1]} : vector<1024x512xf32> to vector<1024x128xf32>
    %logistic3A_1073 = arith.negf %slice3A_1072 : vector<1024x128xf32>
    %logistic3A_1074 = math.exp %logistic3A_1073 : vector<1024x128xf32>
    %logistic3A_1075 = arith.constant 1.000000e+00 : f32
    %logistic3A_1076 = vector.broadcast %logistic3A_1075 : f32 to vector<1024x128xf32>
    %logistic3A_1077 = arith.addf %logistic3A_1076, %logistic3A_1074 : vector<1024x128xf32>
    %logistic3A_1078 = arith.divf %logistic3A_1076, %logistic3A_1077 : vector<1024x128xf32>
    %slice3A_1079 = vector.extract_strided_slice %add3A_1071 {offsets = [0, 128], sizes = [1024, 128], strides = [1, 1]} : vector<1024x512xf32> to vector<1024x128xf32>
    %logistic3A_1080 = arith.negf %slice3A_1079 : vector<1024x128xf32>
    %logistic3A_1081 = math.exp %logistic3A_1080 : vector<1024x128xf32>
    %logistic3A_1082 = arith.constant 1.000000e+00 : f32
    %logistic3A_1083 = vector.broadcast %logistic3A_1082 : f32 to vector<1024x128xf32>
    %logistic3A_1084 = arith.addf %logistic3A_1083, %logistic3A_1081 : vector<1024x128xf32>
    %logistic3A_1085 = arith.divf %logistic3A_1083, %logistic3A_1084 : vector<1024x128xf32>
    %slice3A_1086 = vector.extract_strided_slice %add3A_1071 {offsets = [0, 256], sizes = [1024, 128], strides = [1, 1]} : vector<1024x512xf32> to vector<1024x128xf32>
    %tanh3A_1087 = math.tanh %slice3A_1086 : vector<1024x128xf32>
    %slice3A_1088 = vector.extract_strided_slice %add3A_1071 {offsets = [0, 384], sizes = [1024, 128], strides = [1, 1]} : vector<1024x512xf32> to vector<1024x128xf32>
    %logistic3A_1089 = arith.negf %slice3A_1088 : vector<1024x128xf32>
    %logistic3A_1090 = math.exp %logistic3A_1089 : vector<1024x128xf32>
    %logistic3A_1091 = arith.constant 1.000000e+00 : f32
    %logistic3A_1092 = vector.broadcast %logistic3A_1091 : f32 to vector<1024x128xf32>
    %logistic3A_1093 = arith.addf %logistic3A_1092, %logistic3A_1090 : vector<1024x128xf32>
    %logistic3A_1094 = arith.divf %logistic3A_1092, %logistic3A_1093 : vector<1024x128xf32>
    %mul3A_1095 = arith.mulf %logistic3A_1085, %add3A_1022 : vector<1024x128xf32>
    %mul3A_1096 = arith.mulf %logistic3A_1078, %tanh3A_1087 : vector<1024x128xf32>
    %add3A_1097 = arith.addf %mul3A_1095, %mul3A_1096 : vector<1024x128xf32>
    %tanh3A_1098 = math.tanh %add3A_1097 : vector<1024x128xf32>
    %mul3A_1099 = arith.mulf %logistic3A_1094, %tanh3A_1098 : vector<1024x128xf32>
    %get3A_1100 = arith.constant 0 : index
    %get3A_1101 = arith.constant 0 : index
    %get3A_1102 = vector.load %arg5[%get3A_1100, %get3A_1101] : memref<1x128xf32, #tpu.memory_space<vmem>>, vector<1x128xf32>
    %mul3A_1103 = vector.broadcast %get3A_1102 : vector<1x128xf32> to vector<1024x128xf32>
    %mul3A_1104 = arith.mulf %mul3A_1099, %mul3A_1103 : vector<1024x128xf32>
    %reduce_sum3A_1105 = arith.constant dense<0.000000e+00> : vector<1024xf32>
    %reduce_sum3A_1106 = vector.multi_reduction <add>, %mul3A_1104, %reduce_sum3A_1105 [1] : vector<1024x128xf32> to vector<1024xf32>
    %get3A_1107 = arith.constant 0 : index
    %get3A_1108 = arith.constant 0 : index
    %get3A_1109 = memref.load %arg6[%get3A_1107, %get3A_1108] : memref<1x1xf32, #tpu.memory_space<smem>>
    %add3A_1110 = vector.broadcast %get3A_1109 : f32 to vector<1024xf32>
    %add3A_1111 = arith.addf %reduce_sum3A_1106, %add3A_1110 : vector<1024xf32>
    %logistic3A_1112 = arith.negf %add3A_1111 : vector<1024xf32>
    %logistic3A_1113 = math.exp %logistic3A_1112 : vector<1024xf32>
    %logistic3A_1114 = arith.constant 1.000000e+00 : f32
    %logistic3A_1115 = vector.broadcast %logistic3A_1114 : f32 to vector<1024xf32>
    %logistic3A_1116 = arith.addf %logistic3A_1115, %logistic3A_1113 : vector<1024xf32>
    %logistic3A_1117 = arith.divf %logistic3A_1115, %logistic3A_1116 : vector<1024xf32>
    %swap3A_1118 = arith.constant 14 : index
    %swap3A_1119 = arith.constant 0 : index
    %swap3A_1120 = arith.constant 0 : index
    %swap3A_1121 = vector.load %arg7[%swap3A_1118, %swap3A_1119, %swap3A_1120] : memref<20x1x1024xf32, #tpu.memory_space<vmem>>, vector<1x1x1024xf32>
    %swap3A_1122 = vector.shape_cast %swap3A_1121 : vector<1x1x1024xf32> to vector<1024xf32>
    %swap3A_1123 = vector.shape_cast %logistic3A_1117 : vector<1024xf32> to vector<1x1x1024xf32>
    tpu.vector_store %arg7[%swap3A_1118, %swap3A_1119, %swap3A_1120], %swap3A_1123 {strides = array<i32>} : memref<20x1x1024xf32, #tpu.memory_space<vmem>>, vector<1x1x1024xf32>,
    %get3A_1124 = arith.constant 15 : index
    %get3A_1125 = arith.constant 0 : index
    %get3A_1126 = arith.constant 0 : index
    %get3A_1127 = vector.load %arg1[%get3A_1124, %get3A_1125, %get3A_1126] : memref<20x1024x64xf32, #tpu.memory_space<vmem>>, vector<1x1024x64xf32>
    %get3A_1128 = vector.shape_cast %get3A_1127 : vector<1x1024x64xf32> to vector<1024x64xf32>
    %convert_element_type3A_1129 = arith.truncf %get3A_1128 : vector<1024x64xf32> to vector<1024x64xbf16>
    %get3A_1130 = arith.constant 0 : index
    %get3A_1131 = arith.constant 0 : index
    %get3A_1132 = vector.load %arg2[%get3A_1130, %get3A_1131] : memref<64x512xbf16, #tpu.memory_space<vmem>>, vector<64x512xbf16>
    %dot_general3A_1133 = arith.constant dense<0.000000e+00> : vector<1024x512xf32>
    %dot_general3A_1134 = tpu.matmul %convert_element_type3A_1129, %get3A_1132, %dot_general3A_1133 {dimension_numbers = #tpu.dot_dimension_numbers<[1], [0], [0], [1], [0, 0, 1, 1], [], []>, transpose_lhs_hint = false} : vector<1024x64xbf16>, vector<64x512xbf16>, vector<1024x512xf32> -> vector<1024x512xf32>
    %convert_element_type3A_1135 = arith.truncf %mul3A_1099 : vector<1024x128xf32> to vector<1024x128xbf16>
    %get3A_1136 = arith.constant 0 : index
    %get3A_1137 = arith.constant 0 : index
    %get3A_1138 = vector.load %arg3[%get3A_1136, %get3A_1137] : memref<128x512xbf16, #tpu.memory_space<vmem>>, vector<128x512xbf16>
    %dot_general3A_1139 = arith.constant dense<0.000000e+00> : vector<1024x512xf32>
    %dot_general3A_1140 = tpu.matmul %convert_element_type3A_1135, %get3A_1138, %dot_general3A_1139 {dimension_numbers = #tpu.dot_dimension_numbers<[1], [0], [0], [1], [0, 0, 1, 1], [], []>, transpose_lhs_hint = false} : vector<1024x128xbf16>, vector<128x512xbf16>, vector<1024x512xf32> -> vector<1024x512xf32>
    %add3A_1141 = arith.addf %dot_general3A_1134, %dot_general3A_1140 : vector<1024x512xf32>
    %get3A_1142 = arith.constant 0 : index
    %get3A_1143 = arith.constant 0 : index
    %get3A_1144 = vector.load %arg4[%get3A_1142, %get3A_1143] : memref<1x512xf32, #tpu.memory_space<vmem>>, vector<1x512xf32>
    %add3A_1145 = vector.broadcast %get3A_1144 : vector<1x512xf32> to vector<1024x512xf32>
    %add3A_1146 = arith.addf %add3A_1141, %add3A_1145 : vector<1024x512xf32>
    %slice3A_1147 = vector.extract_strided_slice %add3A_1146 {offsets = [0, 0], sizes = [1024, 128], strides = [1, 1]} : vector<1024x512xf32> to vector<1024x128xf32>
    %logistic3A_1148 = arith.negf %slice3A_1147 : vector<1024x128xf32>
    %logistic3A_1149 = math.exp %logistic3A_1148 : vector<1024x128xf32>
    %logistic3A_1150 = arith.constant 1.000000e+00 : f32
    %logistic3A_1151 = vector.broadcast %logistic3A_1150 : f32 to vector<1024x128xf32>
    %logistic3A_1152 = arith.addf %logistic3A_1151, %logistic3A_1149 : vector<1024x128xf32>
    %logistic3A_1153 = arith.divf %logistic3A_1151, %logistic3A_1152 : vector<1024x128xf32>
    %slice3A_1154 = vector.extract_strided_slice %add3A_1146 {offsets = [0, 128], sizes = [1024, 128], strides = [1, 1]} : vector<1024x512xf32> to vector<1024x128xf32>
    %logistic3A_1155 = arith.negf %slice3A_1154 : vector<1024x128xf32>
    %logistic3A_1156 = math.exp %logistic3A_1155 : vector<1024x128xf32>
    %logistic3A_1157 = arith.constant 1.000000e+00 : f32
    %logistic3A_1158 = vector.broadcast %logistic3A_1157 : f32 to vector<1024x128xf32>
    %logistic3A_1159 = arith.addf %logistic3A_1158, %logistic3A_1156 : vector<1024x128xf32>
    %logistic3A_1160 = arith.divf %logistic3A_1158, %logistic3A_1159 : vector<1024x128xf32>
    %slice3A_1161 = vector.extract_strided_slice %add3A_1146 {offsets = [0, 256], sizes = [1024, 128], strides = [1, 1]} : vector<1024x512xf32> to vector<1024x128xf32>
    %tanh3A_1162 = math.tanh %slice3A_1161 : vector<1024x128xf32>
    %slice3A_1163 = vector.extract_strided_slice %add3A_1146 {offsets = [0, 384], sizes = [1024, 128], strides = [1, 1]} : vector<1024x512xf32> to vector<1024x128xf32>
    %logistic3A_1164 = arith.negf %slice3A_1163 : vector<1024x128xf32>
    %logistic3A_1165 = math.exp %logistic3A_1164 : vector<1024x128xf32>
    %logistic3A_1166 = arith.constant 1.000000e+00 : f32
    %logistic3A_1167 = vector.broadcast %logistic3A_1166 : f32 to vector<1024x128xf32>
    %logistic3A_1168 = arith.addf %logistic3A_1167, %logistic3A_1165 : vector<1024x128xf32>
    %logistic3A_1169 = arith.divf %logistic3A_1167, %logistic3A_1168 : vector<1024x128xf32>
    %mul3A_1170 = arith.mulf %logistic3A_1160, %add3A_1097 : vector<1024x128xf32>
    %mul3A_1171 = arith.mulf %logistic3A_1153, %tanh3A_1162 : vector<1024x128xf32>
    %add3A_1172 = arith.addf %mul3A_1170, %mul3A_1171 : vector<1024x128xf32>
    %tanh3A_1173 = math.tanh %add3A_1172 : vector<1024x128xf32>
    %mul3A_1174 = arith.mulf %logistic3A_1169, %tanh3A_1173 : vector<1024x128xf32>
    %get3A_1175 = arith.constant 0 : index
    %get3A_1176 = arith.constant 0 : index
    %get3A_1177 = vector.load %arg5[%get3A_1175, %get3A_1176] : memref<1x128xf32, #tpu.memory_space<vmem>>, vector<1x128xf32>
    %mul3A_1178 = vector.broadcast %get3A_1177 : vector<1x128xf32> to vector<1024x128xf32>
    %mul3A_1179 = arith.mulf %mul3A_1174, %mul3A_1178 : vector<1024x128xf32>
    %reduce_sum3A_1180 = arith.constant dense<0.000000e+00> : vector<1024xf32>
    %reduce_sum3A_1181 = vector.multi_reduction <add>, %mul3A_1179, %reduce_sum3A_1180 [1] : vector<1024x128xf32> to vector<1024xf32>
    %get3A_1182 = arith.constant 0 : index
    %get3A_1183 = arith.constant 0 : index
    %get3A_1184 = memref.load %arg6[%get3A_1182, %get3A_1183] : memref<1x1xf32, #tpu.memory_space<smem>>
    %add3A_1185 = vector.broadcast %get3A_1184 : f32 to vector<1024xf32>
    %add3A_1186 = arith.addf %reduce_sum3A_1181, %add3A_1185 : vector<1024xf32>
    %logistic3A_1187 = arith.negf %add3A_1186 : vector<1024xf32>
    %logistic3A_1188 = math.exp %logistic3A_1187 : vector<1024xf32>
    %logistic3A_1189 = arith.constant 1.000000e+00 : f32
    %logistic3A_1190 = vector.broadcast %logistic3A_1189 : f32 to vector<1024xf32>
    %logistic3A_1191 = arith.addf %logistic3A_1190, %logistic3A_1188 : vector<1024xf32>
    %logistic3A_1192 = arith.divf %logistic3A_1190, %logistic3A_1191 : vector<1024xf32>
    %swap3A_1193 = arith.constant 15 : index
    %swap3A_1194 = arith.constant 0 : index
    %swap3A_1195 = arith.constant 0 : index
    %swap3A_1196 = vector.load %arg7[%swap3A_1193, %swap3A_1194, %swap3A_1195] : memref<20x1x1024xf32, #tpu.memory_space<vmem>>, vector<1x1x1024xf32>
    %swap3A_1197 = vector.shape_cast %swap3A_1196 : vector<1x1x1024xf32> to vector<1024xf32>
    %swap3A_1198 = vector.shape_cast %logistic3A_1192 : vector<1024xf32> to vector<1x1x1024xf32>
    tpu.vector_store %arg7[%swap3A_1193, %swap3A_1194, %swap3A_1195], %swap3A_1198 {strides = array<i32>} : memref<20x1x1024xf32, #tpu.memory_space<vmem>>, vector<1x1x1024xf32>,
    %get3A_1199 = arith.constant 16 : index
    %get3A_1200 = arith.constant 0 : index
    %get3A_1201 = arith.constant 0 : index
    %get3A_1202 = vector.load %arg1[%get3A_1199, %get3A_1200, %get3A_1201] : memref<20x1024x64xf32, #tpu.memory_space<vmem>>, vector<1x1024x64xf32>
    %get3A_1203 = vector.shape_cast %get3A_1202 : vector<1x1024x64xf32> to vector<1024x64xf32>
    %convert_element_type3A_1204 = arith.truncf %get3A_1203 : vector<1024x64xf32> to vector<1024x64xbf16>
    %get3A_1205 = arith.constant 0 : index
    %get3A_1206 = arith.constant 0 : index
    %get3A_1207 = vector.load %arg2[%get3A_1205, %get3A_1206] : memref<64x512xbf16, #tpu.memory_space<vmem>>, vector<64x512xbf16>
    %dot_general3A_1208 = arith.constant dense<0.000000e+00> : vector<1024x512xf32>
    %dot_general3A_1209 = tpu.matmul %convert_element_type3A_1204, %get3A_1207, %dot_general3A_1208 {dimension_numbers = #tpu.dot_dimension_numbers<[1], [0], [0], [1], [0, 0, 1, 1], [], []>, transpose_lhs_hint = false} : vector<1024x64xbf16>, vector<64x512xbf16>, vector<1024x512xf32> -> vector<1024x512xf32>
    %convert_element_type3A_1210 = arith.truncf %mul3A_1174 : vector<1024x128xf32> to vector<1024x128xbf16>
    %get3A_1211 = arith.constant 0 : index
    %get3A_1212 = arith.constant 0 : index
    %get3A_1213 = vector.load %arg3[%get3A_1211, %get3A_1212] : memref<128x512xbf16, #tpu.memory_space<vmem>>, vector<128x512xbf16>
    %dot_general3A_1214 = arith.constant dense<0.000000e+00> : vector<1024x512xf32>
    %dot_general3A_1215 = tpu.matmul %convert_element_type3A_1210, %get3A_1213, %dot_general3A_1214 {dimension_numbers = #tpu.dot_dimension_numbers<[1], [0], [0], [1], [0, 0, 1, 1], [], []>, transpose_lhs_hint = false} : vector<1024x128xbf16>, vector<128x512xbf16>, vector<1024x512xf32> -> vector<1024x512xf32>
    %add3A_1216 = arith.addf %dot_general3A_1209, %dot_general3A_1215 : vector<1024x512xf32>
    %get3A_1217 = arith.constant 0 : index
    %get3A_1218 = arith.constant 0 : index
    %get3A_1219 = vector.load %arg4[%get3A_1217, %get3A_1218] : memref<1x512xf32, #tpu.memory_space<vmem>>, vector<1x512xf32>
    %add3A_1220 = vector.broadcast %get3A_1219 : vector<1x512xf32> to vector<1024x512xf32>
    %add3A_1221 = arith.addf %add3A_1216, %add3A_1220 : vector<1024x512xf32>
    %slice3A_1222 = vector.extract_strided_slice %add3A_1221 {offsets = [0, 0], sizes = [1024, 128], strides = [1, 1]} : vector<1024x512xf32> to vector<1024x128xf32>
    %logistic3A_1223 = arith.negf %slice3A_1222 : vector<1024x128xf32>
    %logistic3A_1224 = math.exp %logistic3A_1223 : vector<1024x128xf32>
    %logistic3A_1225 = arith.constant 1.000000e+00 : f32
    %logistic3A_1226 = vector.broadcast %logistic3A_1225 : f32 to vector<1024x128xf32>
    %logistic3A_1227 = arith.addf %logistic3A_1226, %logistic3A_1224 : vector<1024x128xf32>
    %logistic3A_1228 = arith.divf %logistic3A_1226, %logistic3A_1227 : vector<1024x128xf32>
    %slice3A_1229 = vector.extract_strided_slice %add3A_1221 {offsets = [0, 128], sizes = [1024, 128], strides = [1, 1]} : vector<1024x512xf32> to vector<1024x128xf32>
    %logistic3A_1230 = arith.negf %slice3A_1229 : vector<1024x128xf32>
    %logistic3A_1231 = math.exp %logistic3A_1230 : vector<1024x128xf32>
    %logistic3A_1232 = arith.constant 1.000000e+00 : f32
    %logistic3A_1233 = vector.broadcast %logistic3A_1232 : f32 to vector<1024x128xf32>
    %logistic3A_1234 = arith.addf %logistic3A_1233, %logistic3A_1231 : vector<1024x128xf32>
    %logistic3A_1235 = arith.divf %logistic3A_1233, %logistic3A_1234 : vector<1024x128xf32>
    %slice3A_1236 = vector.extract_strided_slice %add3A_1221 {offsets = [0, 256], sizes = [1024, 128], strides = [1, 1]} : vector<1024x512xf32> to vector<1024x128xf32>
    %tanh3A_1237 = math.tanh %slice3A_1236 : vector<1024x128xf32>
    %slice3A_1238 = vector.extract_strided_slice %add3A_1221 {offsets = [0, 384], sizes = [1024, 128], strides = [1, 1]} : vector<1024x512xf32> to vector<1024x128xf32>
    %logistic3A_1239 = arith.negf %slice3A_1238 : vector<1024x128xf32>
    %logistic3A_1240 = math.exp %logistic3A_1239 : vector<1024x128xf32>
    %logistic3A_1241 = arith.constant 1.000000e+00 : f32
    %logistic3A_1242 = vector.broadcast %logistic3A_1241 : f32 to vector<1024x128xf32>
    %logistic3A_1243 = arith.addf %logistic3A_1242, %logistic3A_1240 : vector<1024x128xf32>
    %logistic3A_1244 = arith.divf %logistic3A_1242, %logistic3A_1243 : vector<1024x128xf32>
    %mul3A_1245 = arith.mulf %logistic3A_1235, %add3A_1172 : vector<1024x128xf32>
    %mul3A_1246 = arith.mulf %logistic3A_1228, %tanh3A_1237 : vector<1024x128xf32>
    %add3A_1247 = arith.addf %mul3A_1245, %mul3A_1246 : vector<1024x128xf32>
    %tanh3A_1248 = math.tanh %add3A_1247 : vector<1024x128xf32>
    %mul3A_1249 = arith.mulf %logistic3A_1244, %tanh3A_1248 : vector<1024x128xf32>
    %get3A_1250 = arith.constant 0 : index
    %get3A_1251 = arith.constant 0 : index
    %get3A_1252 = vector.load %arg5[%get3A_1250, %get3A_1251] : memref<1x128xf32, #tpu.memory_space<vmem>>, vector<1x128xf32>
    %mul3A_1253 = vector.broadcast %get3A_1252 : vector<1x128xf32> to vector<1024x128xf32>
    %mul3A_1254 = arith.mulf %mul3A_1249, %mul3A_1253 : vector<1024x128xf32>
    %reduce_sum3A_1255 = arith.constant dense<0.000000e+00> : vector<1024xf32>
    %reduce_sum3A_1256 = vector.multi_reduction <add>, %mul3A_1254, %reduce_sum3A_1255 [1] : vector<1024x128xf32> to vector<1024xf32>
    %get3A_1257 = arith.constant 0 : index
    %get3A_1258 = arith.constant 0 : index
    %get3A_1259 = memref.load %arg6[%get3A_1257, %get3A_1258] : memref<1x1xf32, #tpu.memory_space<smem>>
    %add3A_1260 = vector.broadcast %get3A_1259 : f32 to vector<1024xf32>
    %add3A_1261 = arith.addf %reduce_sum3A_1256, %add3A_1260 : vector<1024xf32>
    %logistic3A_1262 = arith.negf %add3A_1261 : vector<1024xf32>
    %logistic3A_1263 = math.exp %logistic3A_1262 : vector<1024xf32>
    %logistic3A_1264 = arith.constant 1.000000e+00 : f32
    %logistic3A_1265 = vector.broadcast %logistic3A_1264 : f32 to vector<1024xf32>
    %logistic3A_1266 = arith.addf %logistic3A_1265, %logistic3A_1263 : vector<1024xf32>
    %logistic3A_1267 = arith.divf %logistic3A_1265, %logistic3A_1266 : vector<1024xf32>
    %swap3A_1268 = arith.constant 16 : index
    %swap3A_1269 = arith.constant 0 : index
    %swap3A_1270 = arith.constant 0 : index
    %swap3A_1271 = vector.load %arg7[%swap3A_1268, %swap3A_1269, %swap3A_1270] : memref<20x1x1024xf32, #tpu.memory_space<vmem>>, vector<1x1x1024xf32>
    %swap3A_1272 = vector.shape_cast %swap3A_1271 : vector<1x1x1024xf32> to vector<1024xf32>
    %swap3A_1273 = vector.shape_cast %logistic3A_1267 : vector<1024xf32> to vector<1x1x1024xf32>
    tpu.vector_store %arg7[%swap3A_1268, %swap3A_1269, %swap3A_1270], %swap3A_1273 {strides = array<i32>} : memref<20x1x1024xf32, #tpu.memory_space<vmem>>, vector<1x1x1024xf32>,
    %get3A_1274 = arith.constant 17 : index
    %get3A_1275 = arith.constant 0 : index
    %get3A_1276 = arith.constant 0 : index
    %get3A_1277 = vector.load %arg1[%get3A_1274, %get3A_1275, %get3A_1276] : memref<20x1024x64xf32, #tpu.memory_space<vmem>>, vector<1x1024x64xf32>
    %get3A_1278 = vector.shape_cast %get3A_1277 : vector<1x1024x64xf32> to vector<1024x64xf32>
    %convert_element_type3A_1279 = arith.truncf %get3A_1278 : vector<1024x64xf32> to vector<1024x64xbf16>
    %get3A_1280 = arith.constant 0 : index
    %get3A_1281 = arith.constant 0 : index
    %get3A_1282 = vector.load %arg2[%get3A_1280, %get3A_1281] : memref<64x512xbf16, #tpu.memory_space<vmem>>, vector<64x512xbf16>
    %dot_general3A_1283 = arith.constant dense<0.000000e+00> : vector<1024x512xf32>
    %dot_general3A_1284 = tpu.matmul %convert_element_type3A_1279, %get3A_1282, %dot_general3A_1283 {dimension_numbers = #tpu.dot_dimension_numbers<[1], [0], [0], [1], [0, 0, 1, 1], [], []>, transpose_lhs_hint = false} : vector<1024x64xbf16>, vector<64x512xbf16>, vector<1024x512xf32> -> vector<1024x512xf32>
    %convert_element_type3A_1285 = arith.truncf %mul3A_1249 : vector<1024x128xf32> to vector<1024x128xbf16>
    %get3A_1286 = arith.constant 0 : index
    %get3A_1287 = arith.constant 0 : index
    %get3A_1288 = vector.load %arg3[%get3A_1286, %get3A_1287] : memref<128x512xbf16, #tpu.memory_space<vmem>>, vector<128x512xbf16>
    %dot_general3A_1289 = arith.constant dense<0.000000e+00> : vector<1024x512xf32>
    %dot_general3A_1290 = tpu.matmul %convert_element_type3A_1285, %get3A_1288, %dot_general3A_1289 {dimension_numbers = #tpu.dot_dimension_numbers<[1], [0], [0], [1], [0, 0, 1, 1], [], []>, transpose_lhs_hint = false} : vector<1024x128xbf16>, vector<128x512xbf16>, vector<1024x512xf32> -> vector<1024x512xf32>
    %add3A_1291 = arith.addf %dot_general3A_1284, %dot_general3A_1290 : vector<1024x512xf32>
    %get3A_1292 = arith.constant 0 : index
    %get3A_1293 = arith.constant 0 : index
    %get3A_1294 = vector.load %arg4[%get3A_1292, %get3A_1293] : memref<1x512xf32, #tpu.memory_space<vmem>>, vector<1x512xf32>
    %add3A_1295 = vector.broadcast %get3A_1294 : vector<1x512xf32> to vector<1024x512xf32>
    %add3A_1296 = arith.addf %add3A_1291, %add3A_1295 : vector<1024x512xf32>
    %slice3A_1297 = vector.extract_strided_slice %add3A_1296 {offsets = [0, 0], sizes = [1024, 128], strides = [1, 1]} : vector<1024x512xf32> to vector<1024x128xf32>
    %logistic3A_1298 = arith.negf %slice3A_1297 : vector<1024x128xf32>
    %logistic3A_1299 = math.exp %logistic3A_1298 : vector<1024x128xf32>
    %logistic3A_1300 = arith.constant 1.000000e+00 : f32
    %logistic3A_1301 = vector.broadcast %logistic3A_1300 : f32 to vector<1024x128xf32>
    %logistic3A_1302 = arith.addf %logistic3A_1301, %logistic3A_1299 : vector<1024x128xf32>
    %logistic3A_1303 = arith.divf %logistic3A_1301, %logistic3A_1302 : vector<1024x128xf32>
    %slice3A_1304 = vector.extract_strided_slice %add3A_1296 {offsets = [0, 128], sizes = [1024, 128], strides = [1, 1]} : vector<1024x512xf32> to vector<1024x128xf32>
    %logistic3A_1305 = arith.negf %slice3A_1304 : vector<1024x128xf32>
    %logistic3A_1306 = math.exp %logistic3A_1305 : vector<1024x128xf32>
    %logistic3A_1307 = arith.constant 1.000000e+00 : f32
    %logistic3A_1308 = vector.broadcast %logistic3A_1307 : f32 to vector<1024x128xf32>
    %logistic3A_1309 = arith.addf %logistic3A_1308, %logistic3A_1306 : vector<1024x128xf32>
    %logistic3A_1310 = arith.divf %logistic3A_1308, %logistic3A_1309 : vector<1024x128xf32>
    %slice3A_1311 = vector.extract_strided_slice %add3A_1296 {offsets = [0, 256], sizes = [1024, 128], strides = [1, 1]} : vector<1024x512xf32> to vector<1024x128xf32>
    %tanh3A_1312 = math.tanh %slice3A_1311 : vector<1024x128xf32>
    %slice3A_1313 = vector.extract_strided_slice %add3A_1296 {offsets = [0, 384], sizes = [1024, 128], strides = [1, 1]} : vector<1024x512xf32> to vector<1024x128xf32>
    %logistic3A_1314 = arith.negf %slice3A_1313 : vector<1024x128xf32>
    %logistic3A_1315 = math.exp %logistic3A_1314 : vector<1024x128xf32>
    %logistic3A_1316 = arith.constant 1.000000e+00 : f32
    %logistic3A_1317 = vector.broadcast %logistic3A_1316 : f32 to vector<1024x128xf32>
    %logistic3A_1318 = arith.addf %logistic3A_1317, %logistic3A_1315 : vector<1024x128xf32>
    %logistic3A_1319 = arith.divf %logistic3A_1317, %logistic3A_1318 : vector<1024x128xf32>
    %mul3A_1320 = arith.mulf %logistic3A_1310, %add3A_1247 : vector<1024x128xf32>
    %mul3A_1321 = arith.mulf %logistic3A_1303, %tanh3A_1312 : vector<1024x128xf32>
    %add3A_1322 = arith.addf %mul3A_1320, %mul3A_1321 : vector<1024x128xf32>
    %tanh3A_1323 = math.tanh %add3A_1322 : vector<1024x128xf32>
    %mul3A_1324 = arith.mulf %logistic3A_1319, %tanh3A_1323 : vector<1024x128xf32>
    %get3A_1325 = arith.constant 0 : index
    %get3A_1326 = arith.constant 0 : index
    %get3A_1327 = vector.load %arg5[%get3A_1325, %get3A_1326] : memref<1x128xf32, #tpu.memory_space<vmem>>, vector<1x128xf32>
    %mul3A_1328 = vector.broadcast %get3A_1327 : vector<1x128xf32> to vector<1024x128xf32>
    %mul3A_1329 = arith.mulf %mul3A_1324, %mul3A_1328 : vector<1024x128xf32>
    %reduce_sum3A_1330 = arith.constant dense<0.000000e+00> : vector<1024xf32>
    %reduce_sum3A_1331 = vector.multi_reduction <add>, %mul3A_1329, %reduce_sum3A_1330 [1] : vector<1024x128xf32> to vector<1024xf32>
    %get3A_1332 = arith.constant 0 : index
    %get3A_1333 = arith.constant 0 : index
    %get3A_1334 = memref.load %arg6[%get3A_1332, %get3A_1333] : memref<1x1xf32, #tpu.memory_space<smem>>
    %add3A_1335 = vector.broadcast %get3A_1334 : f32 to vector<1024xf32>
    %add3A_1336 = arith.addf %reduce_sum3A_1331, %add3A_1335 : vector<1024xf32>
    %logistic3A_1337 = arith.negf %add3A_1336 : vector<1024xf32>
    %logistic3A_1338 = math.exp %logistic3A_1337 : vector<1024xf32>
    %logistic3A_1339 = arith.constant 1.000000e+00 : f32
    %logistic3A_1340 = vector.broadcast %logistic3A_1339 : f32 to vector<1024xf32>
    %logistic3A_1341 = arith.addf %logistic3A_1340, %logistic3A_1338 : vector<1024xf32>
    %logistic3A_1342 = arith.divf %logistic3A_1340, %logistic3A_1341 : vector<1024xf32>
    %swap3A_1343 = arith.constant 17 : index
    %swap3A_1344 = arith.constant 0 : index
    %swap3A_1345 = arith.constant 0 : index
    %swap3A_1346 = vector.load %arg7[%swap3A_1343, %swap3A_1344, %swap3A_1345] : memref<20x1x1024xf32, #tpu.memory_space<vmem>>, vector<1x1x1024xf32>
    %swap3A_1347 = vector.shape_cast %swap3A_1346 : vector<1x1x1024xf32> to vector<1024xf32>
    %swap3A_1348 = vector.shape_cast %logistic3A_1342 : vector<1024xf32> to vector<1x1x1024xf32>
    tpu.vector_store %arg7[%swap3A_1343, %swap3A_1344, %swap3A_1345], %swap3A_1348 {strides = array<i32>} : memref<20x1x1024xf32, #tpu.memory_space<vmem>>, vector<1x1x1024xf32>,
    %get3A_1349 = arith.constant 18 : index
    %get3A_1350 = arith.constant 0 : index
    %get3A_1351 = arith.constant 0 : index
    %get3A_1352 = vector.load %arg1[%get3A_1349, %get3A_1350, %get3A_1351] : memref<20x1024x64xf32, #tpu.memory_space<vmem>>, vector<1x1024x64xf32>
    %get3A_1353 = vector.shape_cast %get3A_1352 : vector<1x1024x64xf32> to vector<1024x64xf32>
    %convert_element_type3A_1354 = arith.truncf %get3A_1353 : vector<1024x64xf32> to vector<1024x64xbf16>
    %get3A_1355 = arith.constant 0 : index
    %get3A_1356 = arith.constant 0 : index
    %get3A_1357 = vector.load %arg2[%get3A_1355, %get3A_1356] : memref<64x512xbf16, #tpu.memory_space<vmem>>, vector<64x512xbf16>
    %dot_general3A_1358 = arith.constant dense<0.000000e+00> : vector<1024x512xf32>
    %dot_general3A_1359 = tpu.matmul %convert_element_type3A_1354, %get3A_1357, %dot_general3A_1358 {dimension_numbers = #tpu.dot_dimension_numbers<[1], [0], [0], [1], [0, 0, 1, 1], [], []>, transpose_lhs_hint = false} : vector<1024x64xbf16>, vector<64x512xbf16>, vector<1024x512xf32> -> vector<1024x512xf32>
    %convert_element_type3A_1360 = arith.truncf %mul3A_1324 : vector<1024x128xf32> to vector<1024x128xbf16>
    %get3A_1361 = arith.constant 0 : index
    %get3A_1362 = arith.constant 0 : index
    %get3A_1363 = vector.load %arg3[%get3A_1361, %get3A_1362] : memref<128x512xbf16, #tpu.memory_space<vmem>>, vector<128x512xbf16>
    %dot_general3A_1364 = arith.constant dense<0.000000e+00> : vector<1024x512xf32>
    %dot_general3A_1365 = tpu.matmul %convert_element_type3A_1360, %get3A_1363, %dot_general3A_1364 {dimension_numbers = #tpu.dot_dimension_numbers<[1], [0], [0], [1], [0, 0, 1, 1], [], []>, transpose_lhs_hint = false} : vector<1024x128xbf16>, vector<128x512xbf16>, vector<1024x512xf32> -> vector<1024x512xf32>
    %add3A_1366 = arith.addf %dot_general3A_1359, %dot_general3A_1365 : vector<1024x512xf32>
    %get3A_1367 = arith.constant 0 : index
    %get3A_1368 = arith.constant 0 : index
    %get3A_1369 = vector.load %arg4[%get3A_1367, %get3A_1368] : memref<1x512xf32, #tpu.memory_space<vmem>>, vector<1x512xf32>
    %add3A_1370 = vector.broadcast %get3A_1369 : vector<1x512xf32> to vector<1024x512xf32>
    %add3A_1371 = arith.addf %add3A_1366, %add3A_1370 : vector<1024x512xf32>
    %slice3A_1372 = vector.extract_strided_slice %add3A_1371 {offsets = [0, 0], sizes = [1024, 128], strides = [1, 1]} : vector<1024x512xf32> to vector<1024x128xf32>
    %logistic3A_1373 = arith.negf %slice3A_1372 : vector<1024x128xf32>
    %logistic3A_1374 = math.exp %logistic3A_1373 : vector<1024x128xf32>
    %logistic3A_1375 = arith.constant 1.000000e+00 : f32
    %logistic3A_1376 = vector.broadcast %logistic3A_1375 : f32 to vector<1024x128xf32>
    %logistic3A_1377 = arith.addf %logistic3A_1376, %logistic3A_1374 : vector<1024x128xf32>
    %logistic3A_1378 = arith.divf %logistic3A_1376, %logistic3A_1377 : vector<1024x128xf32>
    %slice3A_1379 = vector.extract_strided_slice %add3A_1371 {offsets = [0, 128], sizes = [1024, 128], strides = [1, 1]} : vector<1024x512xf32> to vector<1024x128xf32>
    %logistic3A_1380 = arith.negf %slice3A_1379 : vector<1024x128xf32>
    %logistic3A_1381 = math.exp %logistic3A_1380 : vector<1024x128xf32>
    %logistic3A_1382 = arith.constant 1.000000e+00 : f32
    %logistic3A_1383 = vector.broadcast %logistic3A_1382 : f32 to vector<1024x128xf32>
    %logistic3A_1384 = arith.addf %logistic3A_1383, %logistic3A_1381 : vector<1024x128xf32>
    %logistic3A_1385 = arith.divf %logistic3A_1383, %logistic3A_1384 : vector<1024x128xf32>
    %slice3A_1386 = vector.extract_strided_slice %add3A_1371 {offsets = [0, 256], sizes = [1024, 128], strides = [1, 1]} : vector<1024x512xf32> to vector<1024x128xf32>
    %tanh3A_1387 = math.tanh %slice3A_1386 : vector<1024x128xf32>
    %slice3A_1388 = vector.extract_strided_slice %add3A_1371 {offsets = [0, 384], sizes = [1024, 128], strides = [1, 1]} : vector<1024x512xf32> to vector<1024x128xf32>
    %logistic3A_1389 = arith.negf %slice3A_1388 : vector<1024x128xf32>
    %logistic3A_1390 = math.exp %logistic3A_1389 : vector<1024x128xf32>
    %logistic3A_1391 = arith.constant 1.000000e+00 : f32
    %logistic3A_1392 = vector.broadcast %logistic3A_1391 : f32 to vector<1024x128xf32>
    %logistic3A_1393 = arith.addf %logistic3A_1392, %logistic3A_1390 : vector<1024x128xf32>
    %logistic3A_1394 = arith.divf %logistic3A_1392, %logistic3A_1393 : vector<1024x128xf32>
    %mul3A_1395 = arith.mulf %logistic3A_1385, %add3A_1322 : vector<1024x128xf32>
    %mul3A_1396 = arith.mulf %logistic3A_1378, %tanh3A_1387 : vector<1024x128xf32>
    %add3A_1397 = arith.addf %mul3A_1395, %mul3A_1396 : vector<1024x128xf32>
    %tanh3A_1398 = math.tanh %add3A_1397 : vector<1024x128xf32>
    %mul3A_1399 = arith.mulf %logistic3A_1394, %tanh3A_1398 : vector<1024x128xf32>
    %get3A_1400 = arith.constant 0 : index
    %get3A_1401 = arith.constant 0 : index
    %get3A_1402 = vector.load %arg5[%get3A_1400, %get3A_1401] : memref<1x128xf32, #tpu.memory_space<vmem>>, vector<1x128xf32>
    %mul3A_1403 = vector.broadcast %get3A_1402 : vector<1x128xf32> to vector<1024x128xf32>
    %mul3A_1404 = arith.mulf %mul3A_1399, %mul3A_1403 : vector<1024x128xf32>
    %reduce_sum3A_1405 = arith.constant dense<0.000000e+00> : vector<1024xf32>
    %reduce_sum3A_1406 = vector.multi_reduction <add>, %mul3A_1404, %reduce_sum3A_1405 [1] : vector<1024x128xf32> to vector<1024xf32>
    %get3A_1407 = arith.constant 0 : index
    %get3A_1408 = arith.constant 0 : index
    %get3A_1409 = memref.load %arg6[%get3A_1407, %get3A_1408] : memref<1x1xf32, #tpu.memory_space<smem>>
    %add3A_1410 = vector.broadcast %get3A_1409 : f32 to vector<1024xf32>
    %add3A_1411 = arith.addf %reduce_sum3A_1406, %add3A_1410 : vector<1024xf32>
    %logistic3A_1412 = arith.negf %add3A_1411 : vector<1024xf32>
    %logistic3A_1413 = math.exp %logistic3A_1412 : vector<1024xf32>
    %logistic3A_1414 = arith.constant 1.000000e+00 : f32
    %logistic3A_1415 = vector.broadcast %logistic3A_1414 : f32 to vector<1024xf32>
    %logistic3A_1416 = arith.addf %logistic3A_1415, %logistic3A_1413 : vector<1024xf32>
    %logistic3A_1417 = arith.divf %logistic3A_1415, %logistic3A_1416 : vector<1024xf32>
    %swap3A_1418 = arith.constant 18 : index
    %swap3A_1419 = arith.constant 0 : index
    %swap3A_1420 = arith.constant 0 : index
    %swap3A_1421 = vector.load %arg7[%swap3A_1418, %swap3A_1419, %swap3A_1420] : memref<20x1x1024xf32, #tpu.memory_space<vmem>>, vector<1x1x1024xf32>
    %swap3A_1422 = vector.shape_cast %swap3A_1421 : vector<1x1x1024xf32> to vector<1024xf32>
    %swap3A_1423 = vector.shape_cast %logistic3A_1417 : vector<1024xf32> to vector<1x1x1024xf32>
    tpu.vector_store %arg7[%swap3A_1418, %swap3A_1419, %swap3A_1420], %swap3A_1423 {strides = array<i32>} : memref<20x1x1024xf32, #tpu.memory_space<vmem>>, vector<1x1x1024xf32>,
    %get3A_1424 = arith.constant 19 : index
    %get3A_1425 = arith.constant 0 : index
    %get3A_1426 = arith.constant 0 : index
    %get3A_1427 = vector.load %arg1[%get3A_1424, %get3A_1425, %get3A_1426] : memref<20x1024x64xf32, #tpu.memory_space<vmem>>, vector<1x1024x64xf32>
    %get3A_1428 = vector.shape_cast %get3A_1427 : vector<1x1024x64xf32> to vector<1024x64xf32>
    %convert_element_type3A_1429 = arith.truncf %get3A_1428 : vector<1024x64xf32> to vector<1024x64xbf16>
    %get3A_1430 = arith.constant 0 : index
    %get3A_1431 = arith.constant 0 : index
    %get3A_1432 = vector.load %arg2[%get3A_1430, %get3A_1431] : memref<64x512xbf16, #tpu.memory_space<vmem>>, vector<64x512xbf16>
    %dot_general3A_1433 = arith.constant dense<0.000000e+00> : vector<1024x512xf32>
    %dot_general3A_1434 = tpu.matmul %convert_element_type3A_1429, %get3A_1432, %dot_general3A_1433 {dimension_numbers = #tpu.dot_dimension_numbers<[1], [0], [0], [1], [0, 0, 1, 1], [], []>, transpose_lhs_hint = false} : vector<1024x64xbf16>, vector<64x512xbf16>, vector<1024x512xf32> -> vector<1024x512xf32>
    %convert_element_type3A_1435 = arith.truncf %mul3A_1399 : vector<1024x128xf32> to vector<1024x128xbf16>
    %get3A_1436 = arith.constant 0 : index
    %get3A_1437 = arith.constant 0 : index
    %get3A_1438 = vector.load %arg3[%get3A_1436, %get3A_1437] : memref<128x512xbf16, #tpu.memory_space<vmem>>, vector<128x512xbf16>
    %dot_general3A_1439 = arith.constant dense<0.000000e+00> : vector<1024x512xf32>
    %dot_general3A_1440 = tpu.matmul %convert_element_type3A_1435, %get3A_1438, %dot_general3A_1439 {dimension_numbers = #tpu.dot_dimension_numbers<[1], [0], [0], [1], [0, 0, 1, 1], [], []>, transpose_lhs_hint = false} : vector<1024x128xbf16>, vector<128x512xbf16>, vector<1024x512xf32> -> vector<1024x512xf32>
    %add3A_1441 = arith.addf %dot_general3A_1434, %dot_general3A_1440 : vector<1024x512xf32>
    %get3A_1442 = arith.constant 0 : index
    %get3A_1443 = arith.constant 0 : index
    %get3A_1444 = vector.load %arg4[%get3A_1442, %get3A_1443] : memref<1x512xf32, #tpu.memory_space<vmem>>, vector<1x512xf32>
    %add3A_1445 = vector.broadcast %get3A_1444 : vector<1x512xf32> to vector<1024x512xf32>
    %add3A_1446 = arith.addf %add3A_1441, %add3A_1445 : vector<1024x512xf32>
    %slice3A_1447 = vector.extract_strided_slice %add3A_1446 {offsets = [0, 0], sizes = [1024, 128], strides = [1, 1]} : vector<1024x512xf32> to vector<1024x128xf32>
    %logistic3A_1448 = arith.negf %slice3A_1447 : vector<1024x128xf32>
    %logistic3A_1449 = math.exp %logistic3A_1448 : vector<1024x128xf32>
    %logistic3A_1450 = arith.constant 1.000000e+00 : f32
    %logistic3A_1451 = vector.broadcast %logistic3A_1450 : f32 to vector<1024x128xf32>
    %logistic3A_1452 = arith.addf %logistic3A_1451, %logistic3A_1449 : vector<1024x128xf32>
    %logistic3A_1453 = arith.divf %logistic3A_1451, %logistic3A_1452 : vector<1024x128xf32>
    %slice3A_1454 = vector.extract_strided_slice %add3A_1446 {offsets = [0, 128], sizes = [1024, 128], strides = [1, 1]} : vector<1024x512xf32> to vector<1024x128xf32>
    %logistic3A_1455 = arith.negf %slice3A_1454 : vector<1024x128xf32>
    %logistic3A_1456 = math.exp %logistic3A_1455 : vector<1024x128xf32>
    %logistic3A_1457 = arith.constant 1.000000e+00 : f32
    %logistic3A_1458 = vector.broadcast %logistic3A_1457 : f32 to vector<1024x128xf32>
    %logistic3A_1459 = arith.addf %logistic3A_1458, %logistic3A_1456 : vector<1024x128xf32>
    %logistic3A_1460 = arith.divf %logistic3A_1458, %logistic3A_1459 : vector<1024x128xf32>
    %slice3A_1461 = vector.extract_strided_slice %add3A_1446 {offsets = [0, 256], sizes = [1024, 128], strides = [1, 1]} : vector<1024x512xf32> to vector<1024x128xf32>
    %tanh3A_1462 = math.tanh %slice3A_1461 : vector<1024x128xf32>
    %slice3A_1463 = vector.extract_strided_slice %add3A_1446 {offsets = [0, 384], sizes = [1024, 128], strides = [1, 1]} : vector<1024x512xf32> to vector<1024x128xf32>
    %logistic3A_1464 = arith.negf %slice3A_1463 : vector<1024x128xf32>
    %logistic3A_1465 = math.exp %logistic3A_1464 : vector<1024x128xf32>
    %logistic3A_1466 = arith.constant 1.000000e+00 : f32
    %logistic3A_1467 = vector.broadcast %logistic3A_1466 : f32 to vector<1024x128xf32>
    %logistic3A_1468 = arith.addf %logistic3A_1467, %logistic3A_1465 : vector<1024x128xf32>
    %logistic3A_1469 = arith.divf %logistic3A_1467, %logistic3A_1468 : vector<1024x128xf32>
    %mul3A_1470 = arith.mulf %logistic3A_1460, %add3A_1397 : vector<1024x128xf32>
    %mul3A_1471 = arith.mulf %logistic3A_1453, %tanh3A_1462 : vector<1024x128xf32>
    %add3A_1472 = arith.addf %mul3A_1470, %mul3A_1471 : vector<1024x128xf32>
    %tanh3A_1473 = math.tanh %add3A_1472 : vector<1024x128xf32>
    %mul3A_1474 = arith.mulf %logistic3A_1469, %tanh3A_1473 : vector<1024x128xf32>
    %get3A_1475 = arith.constant 0 : index
    %get3A_1476 = arith.constant 0 : index
    %get3A_1477 = vector.load %arg5[%get3A_1475, %get3A_1476] : memref<1x128xf32, #tpu.memory_space<vmem>>, vector<1x128xf32>
    %mul3A_1478 = vector.broadcast %get3A_1477 : vector<1x128xf32> to vector<1024x128xf32>
    %mul3A_1479 = arith.mulf %mul3A_1474, %mul3A_1478 : vector<1024x128xf32>
    %reduce_sum3A_1480 = arith.constant dense<0.000000e+00> : vector<1024xf32>
    %reduce_sum3A_1481 = vector.multi_reduction <add>, %mul3A_1479, %reduce_sum3A_1480 [1] : vector<1024x128xf32> to vector<1024xf32>
    %get3A_1482 = arith.constant 0 : index
    %get3A_1483 = arith.constant 0 : index
    %get3A_1484 = memref.load %arg6[%get3A_1482, %get3A_1483] : memref<1x1xf32, #tpu.memory_space<smem>>
    %add3A_1485 = vector.broadcast %get3A_1484 : f32 to vector<1024xf32>
    %add3A_1486 = arith.addf %reduce_sum3A_1481, %add3A_1485 : vector<1024xf32>
    %logistic3A_1487 = arith.negf %add3A_1486 : vector<1024xf32>
    %logistic3A_1488 = math.exp %logistic3A_1487 : vector<1024xf32>
    %logistic3A_1489 = arith.constant 1.000000e+00 : f32
    %logistic3A_1490 = vector.broadcast %logistic3A_1489 : f32 to vector<1024xf32>
    %logistic3A_1491 = arith.addf %logistic3A_1490, %logistic3A_1488 : vector<1024xf32>
    %logistic3A_1492 = arith.divf %logistic3A_1490, %logistic3A_1491 : vector<1024xf32>
    %swap3A_1493 = arith.constant 19 : index
    %swap3A_1494 = arith.constant 0 : index
    %swap3A_1495 = arith.constant 0 : index
    %swap3A_1496 = vector.load %arg7[%swap3A_1493, %swap3A_1494, %swap3A_1495] : memref<20x1x1024xf32, #tpu.memory_space<vmem>>, vector<1x1x1024xf32>
    %swap3A_1497 = vector.shape_cast %swap3A_1496 : vector<1x1x1024xf32> to vector<1024xf32>
    %swap3A_1498 = vector.shape_cast %logistic3A_1492 : vector<1024xf32> to vector<1x1x1024xf32>
    tpu.vector_store %arg7[%swap3A_1493, %swap3A_1494, %swap3A_1495], %swap3A_1498 {strides = array<i32>} : memref<20x1x1024xf32, #tpu.memory_space<vmem>>, vector<1x1x1024xf32>,
    %swap3A_1499 = arith.constant 0 : index
    %swap3A_1500 = arith.constant 0 : index
    %swap3A_1501 = vector.load %arg8[%swap3A_1499, %swap3A_1500] : memref<1024x128xf32, #tpu.memory_space<vmem>>, vector<1024x128xf32>
    tpu.vector_store %arg8[%swap3A_1499, %swap3A_1500], %mul3A_1474 {strides = array<i32>} : memref<1024x128xf32, #tpu.memory_space<vmem>>, vector<1024x128xf32>,
    %swap3A_1502 = arith.constant 0 : index
    %swap3A_1503 = arith.constant 0 : index
    %swap3A_1504 = vector.load %arg9[%swap3A_1502, %swap3A_1503] : memref<1024x128xf32, #tpu.memory_space<vmem>>, vector<1024x128xf32>
    tpu.vector_store %arg9[%swap3A_1502, %swap3A_1503], %add3A_1472 {strides = array<i32>} : memref<1024x128xf32, #tpu.memory_space<vmem>>, vector<1024x128xf32>,
    return
  }
  func.func @transform_0(%arg0: i32) -> (i32, i32, i32) {
    %c0_i32 = arith.constant 0 : i32
    %c0_i32_0 = arith.constant 0 : i32
    %c0_i32_1 = arith.constant 0 : i32
    return %arg0, %c0_i32, %c0_i32_0 : i32, i32, i32
  }
  func.func @transform_1(%arg0: i32) -> (i32, i32) {
    %c0_i32 = arith.constant 0 : i32
    %c0_i32_0 = arith.constant 0 : i32
    %c0_i32_1 = arith.constant 0 : i32
    return %c0_i32, %c0_i32_0 : i32, i32
  }
  func.func @transform_2(%arg0: i32) -> (i32, i32) {
    %c0_i32 = arith.constant 0 : i32
    %c0_i32_0 = arith.constant 0 : i32
    %c0_i32_1 = arith.constant 0 : i32
    return %c0_i32, %c0_i32_0 : i32, i32
  }
  func.func @transform_3(%arg0: i32) -> (i32, i32) {
    %c0_i32 = arith.constant 0 : i32
    %c0_i32_0 = arith.constant 0 : i32
    %c0_i32_1 = arith.constant 0 : i32
    return %c0_i32, %c0_i32_0 : i32, i32
  }
  func.func @transform_4(%arg0: i32) -> (i32, i32) {
    %c0_i32 = arith.constant 0 : i32
    %c0_i32_0 = arith.constant 0 : i32
    %c0_i32_1 = arith.constant 0 : i32
    return %c0_i32, %c0_i32_0 : i32, i32
  }
  func.func @transform_5(%arg0: i32) -> (i32, i32) {
    %c0_i32 = arith.constant 0 : i32
    %c0_i32_0 = arith.constant 0 : i32
    %c0_i32_1 = arith.constant 0 : i32
    return %c0_i32, %c0_i32_0 : i32, i32
  }
  func.func @transform_6(%arg0: i32) -> (i32, i32, i32) {
    %c0_i32 = arith.constant 0 : i32
    %c0_i32_0 = arith.constant 0 : i32
    %c0_i32_1 = arith.constant 0 : i32
    return %arg0, %c0_i32, %c0_i32_0 : i32, i32, i32
  }
}

</mosaic_0001>

<sc_bundles>
// kernel: kernel.4.cloned.1.call-start
scs
__scs_entry_jumppad:
0x0: {  	(pc) =	sbr.rel $0x88, $3  }
0x1: {  	(tag) =	ssettag $0x0;
	lr =	simm.s32 $0x1  }
0x2: {  	[smem:$0x3F96] =	sst lr;
	_ =	strace $0xD0000000  }
0x3: {  	_ = 	snop  }
0x4: {  	_ = 	snop  }
0x5: {  	_ = 	snop  }
0x6: {  	_ = 	snop  }
0x7: {  	_ = 	snop  }
__scs_overlays_trampoline_lowered:
0x8: {  	[smem:$0x3FA5] =	sst s0  }
0x9: {  	[smem:$0x3FA6] =	sst s1  }
0xa: {  	[smem:$0x3FA7] =	sst s2  }
0xb: {  	[smem:$0x3FA8] =	sst s3  }
0xc: {  	[smem:$0x3FA9] =	sst s4  }
0xd: {  	[smem:$0x3FAA] =	sst s5  }
0xe: {  	[smem:$0x3FAB] =	sst s6  }
0xf: {  	[smem:$0x3FAC] =	sst s7  }
0x10: {  	[smem:$0x3FAD] =	sst s8  }
0x11: {  	[smem:$0x3FAE] =	sst s9;
	s0 =	simm.s32 @!p0 $0x0  }
0x12: {  	s1 =	sld [smem:$0x3F94];
	s0 =	simm.s32 @p0 $0x1  }
0x13: {  	[smem:$0x3FAF] =	sst s0;
	s0 =	simm.s32 @!p1 $0x0  }
0x14: {  	s2 =	sld [smem:$0x3F93];
	s0 =	simm.s32 @p1 $0x1  }
0x15: {  	[smem:$0x3FB0] =	sst s0;
	s0 =	simm.s32 @!p2 $0x0  }
0x16: {  	s3 =	sld [smem:$0x3FDB];
	s0 =	simm.s32 @p2 $0x1  }
0x17: {  	s4 =	simm.s32 $0x1BF5;
	[smem:$0x3FB2] =	sst s0  }
0x18: {  	s0 =	sld [smem:$0x3F95];
	_ =	swait.ge [sflag:s4], $0x0  }
0x19: {  	s7 =	sld [smem:$0x3F96]  }
0x1a: {  	s8 =	sadd.s32 $0xFFFFE003, lr  }
0x1b: {  	s9 =	sadd.s32 $0xFFFFFEF7, lr;
	s5 =	simm.s32 $0xFFFFFFFF;
	p2 =	slt.u32 s8, $0xFFFFF086  }
0x1c: {  	p1 =	slt.u32 s9, $0xF7A;
	s5 =	simm.s32 @!p2 $0x0  }
0x1d: {  	s5 =	simm.s32 @p1 $0x1;
	p0 =	seq.s32 s7, s2  }
0x1e: {  	s7 =	smul.u32 @!p0 $0xF7A, s2;
	p2 =	seq.s32 @!p0 s5, $0x0  }
0x1f: {  	s9 =	smul.u32 $0xF7A, s1;
	s8 =	simm.s32 @!p0 $0x1BF5;
	p2 =	por !p2, p0  }
0x20: {  	[sflag:s8] =	ssyncset.s32 @!p0 $0xFFFFF086;
	s6 =	sadd.s32 @!p0 s3, s7;
	s7 =	simm.s32 @!p0 $0x108  }
0x21: {  	s3 =	sadd.s32 s3, s9;
	s6 =	sadd.s32 @!p0 $0x88, s6;
	s7 =	simm.s32 @p2 $0x1082  }
0x22: {  	[simem:s7], [sflag:s8] =	dma.local @!p0 [hbm:s6], $0xF7A  }
0x23: {  	s9 =	sor.u32 $0xD0000000, s2;
	s6 =	simm.s32 $0x108;
	_ =	swait.ge @!p0 [sflag:s8], $0x0  }
0x24: {  	s3 =	sadd.s32 $0x88, s3;
	s6 =	simm.s32 @!p1 $0x1082;
	[sflag:s4] =	ssyncset.s32 $0xFFFFF086  }
0x25: {  	[simem:s6], [sflag:s4] =	dma.local [hbm:s3], $0xF7A  }
0x26: {  	[smem:$0x3F96] =	sst s1;
	(tag) =	ssettag s2;
	_ =	strace s9  }
0x27: {  	s1 =	sld [smem:$0x3FA6]  }
0x28: {  	s2 =	sld [smem:$0x3FA7]  }
0x29: {  	s4 =	sld [smem:$0x3FA9]  }
0x2a: {  	p0 =	seq.s32 s5, $0x0;
	s5 =	sld [smem:$0x3FAA]  }
0x2b: {  	s6 =	sld [smem:$0x3FAB]  }
0x2c: {  	s7 =	sld [smem:$0x3FAC]  }
0x2d: {  	s3 =	simm.s32 $0x108;
	s8 =	sld [smem:$0x3FAD]  }
0x2e: {  	s3 =	simm.s32 @!p0 $0x1082;
	s9 =	sld [smem:$0x3FAE]  }
0x2f: {  	lr =	sadd.s32 s0, s3;
	s0 =	sld [smem:$0x3FA5]  }
0x30: {  	s3 =	sld [smem:$0x3FA8]  }
0x31: {  	[smem:$0x3FB1] =	sst s10  }
0x32: {  	s10 =	sld [smem:$0x3FAF];
	_ =	sdelay $0x3  }
0x33: {  	p0 =	seq.s32 s10, $0x1;
	s10 =	sld [smem:$0x3FB1];
	_ =	sdelay $0x3  }
0x34: {  	[smem:$0x3FB1] =	sst s10  }
0x35: {  	s10 =	sld [smem:$0x3FB0];
	_ =	sdelay $0x3  }
0x36: {  	p1 =	seq.s32 s10, $0x1;
	s10 =	sld [smem:$0x3FB1];
	_ =	sdelay $0x3  }
0x37: {  	[smem:$0x3FB1] =	sst s10  }
0x38: {  	s10 =	sld [smem:$0x3FB2]  }
0x39: {  	_ = 	snop;
	(pc) =	sbr.ind lr, $3  }
0x3a: {  	_ = 	snop  }
0x3b: {  	_ = 	snop  }
0x3c: {  	p2 =	seq.s32 s10, $0x1;
	s10 =	sld [smem:$0x3FB1]  }
0x3d: {  	_ =	shalt  }
0x3e: {  	_ =	shalt  }
0x3f: {  	_ =	shalt  }
0x40: {  	_ =	shalt  }
0x41: {  	_ =	shalt  }
0x42: {  	_ =	shalt  }
0x43: {  	_ =	shalt  }
0x44: {  	_ =	shalt  }
0x45: {  	_ =	shalt  }
0x46: {  	_ =	shalt  }
0x47: {  	_ =	shalt  }
0x48: {  	_ =	shalt  }
0x49: {  	_ =	shalt  }
0x4a: {  	_ =	shalt  }
0x4b: {  	_ =	shalt  }
0x4c: {  	_ =	shalt  }
0x4d: {  	_ =	shalt  }
0x4e: {  	_ =	shalt  }
0x4f: {  	_ =	shalt  }
0x50: {  	_ =	shalt  }
0x51: {  	_ =	shalt  }
0x52: {  	_ =	shalt  }
0x53: {  	_ =	shalt  }
0x54: {  	_ =	shalt  }
0x55: {  	_ =	shalt  }
0x56: {  	_ =	shalt  }
0x57: {  	_ =	shalt  }
0x58: {  	_ =	shalt  }
0x59: {  	_ =	shalt  }
0x5a: {  	_ =	shalt  }
0x5b: {  	_ =	shalt  }
0x5c: {  	_ =	shalt  }
0x5d: {  	_ =	shalt  }
0x5e: {  	_ =	shalt  }
0x5f: {  	_ =	shalt  }
0x60: {  	_ =	shalt  }
0x61: {  	_ =	shalt  }
0x62: {  	_ =	shalt  }
0x63: {  	_ =	shalt  }
0x64: {  	_ =	shalt  }
0x65: {  	_ =	shalt  }
0x66: {  	_ =	shalt  }
0x67: {  	_ =	shalt  }
0x68: {  	_ =	shalt  }
0x69: {  	_ =	shalt  }
0x6a: {  	_ =	shalt  }
0x6b: {  	_ =	shalt  }
0x6c: {  	_ =	shalt  }
0x6d: {  	_ =	shalt  }
0x6e: {  	_ =	shalt  }
0x6f: {  	_ =	shalt  }
0x70: {  	_ =	shalt  }
0x71: {  	_ =	shalt  }
0x72: {  	_ =	shalt  }
0x73: {  	_ =	shalt  }
0x74: {  	_ =	shalt  }
0x75: {  	_ =	shalt  }
0x76: {  	_ =	shalt  }
0x77: {  	_ =	shalt  }
0x78: {  	_ =	shalt  }
0x79: {  	_ =	shalt  }
0x7a: {  	_ =	shalt  }
0x7b: {  	_ =	shalt  }
0x7c: {  	_ =	shalt  }
0x7d: {  	_ =	shalt  }
0x7e: {  	_ =	shalt  }
0x7f: {  	_ =	shalt  }
0x80: {  	_ =	shalt  }
0x81: {  	_ =	shalt  }
0x82: {  	_ =	shalt  }
0x83: {  	_ =	shalt  }
0x84: {  	_ =	shalt  }
0x85: {  	_ =	shalt  }
0x86: {  	_ =	shalt  }
0x87: {  	_ =	shalt  }
.Lfunc_end0:
.L_simem_size_0:
called_computation_lowered:
.L_overlay_start_0:
0x88: {  	s2 =	sld [smem:$0x3FD9]  }
0x89: {  	s3 =	sld [smem:$0x3FFE];
	_ =	sdelay $0x1  }
0x8a: {  	s1 =	srdreg.scid  }
0x8b: {  	s0 =	sand.u32 $0x1, s1  }
0x8c: {  	s17 =	sshll.u32 s0, $0xA;
	s2 =	sadd.s32 s3, s2  }
0x8d: {  	s2 =	sadd.s32 s2, s17  }
0x8e: {  	[smem:$0x3FBD] =	sst s2  }
0x8f: {  	_ = 	snop  }
0x90: {  	s2 =	sld [smem:$0x3FD0];
	(tm) =	ssettm $0x1  }
0x91: {  	s18 =	sld [smem:$0x3FFB];
	_ =	sdelay $0x3  }
0x92: {  	_ =	strace s18  }
0x93: {  	s3 =	sld [smem:$0x3FFC];
	_ =	sdelay $0x3  }
0x94: {  	_ =	strace s3  }
0x95: {  	s3 =	sld [smem:$0x3FFD];
	_ =	sdelay $0x3  }
0x96: {  	_ =	strace s3  }
0x97: {  	_ =	strace $0x8FFFFFFF  }
0x98: {  	s19 =	sld [smem:$0x3FDB];
	_ =	sdelay $0x1  }
0x99: {  	s4 =	simm.s32 $_scs_section_size  }
0x9a: {  	s5 =	simm.s32 $_size__tile_overlayer_lowered;
	s6 =	simm.s32 $_tile_overlayer_lowered  }
0x9b: {  	s22 =	simm.s32 $0x1BFF;
	s21 =	sshll.u32 s6, $0x1;
	s3 =	sadd.s32 s4, s19  }
0x9c: {  	s7 =	simm.s32 $0x0;
	s20 =	sshll.u32 s5, $0x1;
	s5 =	sadd.s32 s21, s3  }
0x9d: {  	[timem:s7], [sflag:s22] =	dma.local [hbm:s5], s20  }
0x9e: {  	_ =	swait.ge [sflag:s22], s20  }
0x9f: {  	s4 =	ssub.s32 $0x0, s20;
	[sflag:s22] =	ssyncset.done $0x0  }
0xa0: {  	[sflag:s22] =	ssyncadd.s32 s4;
	_ =	sdelay $0x1  }
0xa1: {  	s23 =	simm.s32 $0x1B8B  }
0xa2: {  	_ =	swait.ge [sflag:s23], $0x1  }
0xa3: {  	[sflag:s23] =	ssyncset.done $0x0  }
0xa4: {  	s25 =	simm.s32 $0x1B8E;
	s24 =	sld [smem:$0x3FFE];
	[sflag:s23] =	ssyncadd.s32 $0xFFFFFFFF  }
0xa5: {  	s26 =	simm.s32 $execute0_lowered;
	[smem:$0x3FD2] =	sst s25  }
0xa6: {  	s5 =	sshll.u32 s26, $0x1;
	_ =	strace $0x80000046;
	[dreg:$0x1] =	wrdreg $0xFFFFFFFF  }
0xa7: {  	s28 =	simm.s32 $_size_execute0_lowered;
	s3 =	sadd.s32 s3, s5;
	[dreg:$0x0] =	wrdreg $0x0  }
0xa8: {  	s5 =	sshll.u32 s28, $0x1;
	[dreg:$0x2] =	wrdreg s3  }
0xa9: {  	[dreg:$0x3] =	wrdreg s5  }
0xaa: {  	[dreg:$0x4] =	wrdreg $0xC0  }
0xab: {  	_ =	task [dreg:s7], $0x5FFFF  }
0xac: {  	[dreg:$0x1] =	wrdreg $0xFFFFFFFF  }
0xad: {  	[dreg:$0x0] =	wrdreg $0x60  }
0xae: {  	[dreg:$0x2] =	wrdreg s24  }
0xaf: {  	[dreg:$0x3] =	wrdreg s2  }
0xb0: {  	[dreg:$0x4] =	wrdreg $0x9  }
0xb1: {  	_ =	task.clear_ibuf [dreg:s7], $0x5FFFF;
	_ =	strace $0x90000046  }
0xb2: {  	s29 =	simm.s32 $0x9;
	_ =	strace $0x80000048  }
0xb3: {  	_ =	swait.ge [sflag:s29], $0x1  }
0xb4: {  	[sflag:s29] =	ssyncadd.s32 $0xFFFFFFFF  }
0xb5: {  	_ =	strace $0x90000048  }
0xb6: {  	_ =	sfence  }
0xb7: {  	s30 =	sld [smem:$0x0];
	_ =	sdelay $0x2  }
0xb8: {  	s31 =	sshll.u32 s1, $0xD;
	s1 =	sshrl.u32 s1, $0x2  }
0xb9: {  	s3 =	sand.u32 $0x4000, s31;
	s1 =	sadd.s32 s1, s30  }
0xba: {  	s0 =	sor.u32 s3, s0;
	s1 =	sshll.u32 s1, $0x11  }
0xbb: {  	s0 =	sor.u32 s1, s0  }
0xbc: {  	s0 =	sadd.s32 $0x8F2B, s0  }
0xbd: {  	[sflag:s0] =	ssyncadd.remote.s32 $0x1  }
0xbe: {  	_ =	sfence.sel $0xFFFF  }
0xbf: {  	[dreg:$0x0] =	wrdreg $0xFFFFFFFF;
	(pc) =	sbr.abs _section_cstart, $3  }
0xc0: {  	[dreg:$0x1] =	wrdreg $0xFFFFFFFF  }
0xc1: {  	_ =	task.clear_ibuf [dreg:s7], $0x2FFFF;
	_ =	strace $0x9FFFFFFF  }
0xc2: {  	(tm) =	ssettm $0x7FFFFFFF  }
0xc3: {  	_ =	shalt  }
tec
execute0_lowered:
.L_overlay_start_1:
0x0: {  	(tag) =	ssettag $0x1  }
0x1: {  	s0 =	rddreg [dreg:$0x0]  }
0x2: {  	s1 =	rddreg [dreg:$0x1];
	s6 =	stileid.u32;
	s2 =	simm.s32 $0x0  }
0x3: {  	s3 =	srdreg.scid;
	s10 =	simm.s32 $0x2500;
	s11 =	simm.s32 $0x100  }
0x4: {  	s12 =	simm.s32 $0x4500;
	s13 =	simm.s32 $0x180;
	s14 =	simm.s32 $0x6500  }
0x5: {  	s15 =	simm.s32 $0x200;
	s16 =	simm.s32 $0x8500;
	s17 =	simm.s32 $0x280  }
0x6: {  	s18 =	simm.s32 $0xA500;
	s19 =	simm.s32 $0x300;
	s20 =	simm.s32 $0xC500  }
0x7: {  	s21 =	simm.s32 $0x380;
	s22 =	simm.s32 $0xE500;
	s23 =	simm.s32 $0x400  }
0x8: {  	s24 =	simm.s32 $0x10500;
	s25 =	simm.s32 $0x480;
	s26 =	simm.s32 $0x12500  }
0x9: {  	s28 =	simm.s32 $0x1;
	s29 =	simm.s32 $0x0;
	s4 =	smul.u32 $0x19000, s6  }
0xa: {  	[smem:$0x7FF] =	sst s2;
	s5 =	sand.u32 $0x1, s3;
	s6 =	smul.u32 $0x3200, s6  }
0xb: {  	s3 =	sadd.s32 $0xF43800, s0;
	s7 =	ssub.s32 $0x2, s5;
	s8 =	smul.u32 $0x1900, s5  }
0xc: {  	_ =	strace $0x80000047;
	s5 =	smul.u32 $0xC800, s5;
	s9 =	sshrl.u32 s7, $0x1  }
0xd: {  	s0 =	sadd.s32 s4, s0;
	s31 =	ssub.s32 s7, s9;
	s6 =	sadd.s32 s8, s6  }
0xe: {  	s0 =	sadd.s32 s5, s0;
	s7 =	simm.s32 $0x2;
	s8 =	simm.s32 $0x80  }
0xf: {  	s9 =	simm.s32 $0x500;
	s4 =	smax.u32 s31, $0x1;
	s6 =	sshrl.u32 s6, $0x3  }
0x10: {  	[dreg:$0x3] =	wrdreg s4;
	s5 =	sadd.s32 s6, s1;
	s6 =	sadd.s32 $0x1400, s0  }
.LBB2_1:
0x11: {  	s0 =	sadd.s32 $0x0, s5  }
0x12: {  	[tilespmem:s2], [sflag:$0x2] =	stream.linear.gather [hbm4b:s0+s2], $0x500, $0x38;
	[tilespmem:$0x14500] =	vst v63  }
0x13: {  	_ =	swait.ge [sflag:s7], $0x500  }
0x14: {  	[sflag:s7] =	ssyncset.done $0x0  }
0x15: {  	[sflag:s7] =	ssyncadd.s32 $0xFFFFFB00  }
0x16: {  	[tilespmem:s9], [sflag:$0x1] =	stream.indirect.gather [hbm4b:s3+s8], $0x40, s2, s8, $0xb8;
	[tilespmem:$0x14500] =	vst v63  }
0x17: {  	_ = 	snop  }
0x18: {  	[tilespmem:s10], [sflag:$0x1] =	stream.indirect.gather [hbm4b:s3+s8], $0x40, s8, s8, $0xb8;
	[tilespmem:$0x14500] =	vst v63  }
0x19: {  	_ = 	snop  }
0x1a: {  	[tilespmem:s12], [sflag:$0x1] =	stream.indirect.gather [hbm4b:s3+s8], $0x40, s11, s8, $0xb8;
	[tilespmem:$0x14500] =	vst v63  }
0x1b: {  	_ = 	snop  }
0x1c: {  	[tilespmem:s14], [sflag:$0x1] =	stream.indirect.gather [hbm4b:s3+s8], $0x40, s13, s8, $0xb8;
	[tilespmem:$0x14500] =	vst v63  }
0x1d: {  	_ = 	snop  }
0x1e: {  	[tilespmem:s16], [sflag:$0x1] =	stream.indirect.gather [hbm4b:s3+s8], $0x40, s15, s8, $0xb8;
	[tilespmem:$0x14500] =	vst v63  }
0x1f: {  	_ = 	snop  }
0x20: {  	[tilespmem:s18], [sflag:$0x1] =	stream.indirect.gather [hbm4b:s3+s8], $0x40, s17, s8, $0xb8;
	[tilespmem:$0x14500] =	vst v63  }
0x21: {  	_ = 	snop  }
0x22: {  	[tilespmem:s20], [sflag:$0x1] =	stream.indirect.gather [hbm4b:s3+s8], $0x40, s19, s8, $0xb8;
	[tilespmem:$0x14500] =	vst v63  }
0x23: {  	_ = 	snop  }
0x24: {  	[tilespmem:s22], [sflag:$0x1] =	stream.indirect.gather [hbm4b:s3+s8], $0x40, s21, s8, $0xb8;
	[tilespmem:$0x14500] =	vst v63  }
0x25: {  	_ = 	snop  }
0x26: {  	[tilespmem:s24], [sflag:$0x1] =	stream.indirect.gather [hbm4b:s3+s8], $0x40, s23, s8, $0xb8;
	[tilespmem:$0x14500] =	vst v63  }
0x27: {  	_ = 	snop  }
0x28: {  	[tilespmem:s26], [sflag:$0x1] =	stream.indirect.gather [hbm4b:s3+s8], $0x40, s25, s8, $0xb8;
	[tilespmem:$0x14500] =	vst v63  }
0x29: {  	_ =	swait.ge [sflag:s28], $0x2000  }
0x2a: {  	[sflag:s28] =	ssyncset.done $0x0  }
0x2b: {  	[sflag:s28] =	ssyncadd.s32 $0xFFFFE000  }
0x2c: {  	_ =	swait.ge [sflag:s28], $0x2000  }
0x2d: {  	[sflag:s28] =	ssyncset.done $0x0  }
0x2e: {  	[sflag:s28] =	ssyncadd.s32 $0xFFFFE000  }
0x2f: {  	_ =	swait.ge [sflag:s28], $0x2000  }
0x30: {  	[sflag:s28] =	ssyncset.done $0x0  }
0x31: {  	[sflag:s28] =	ssyncadd.s32 $0xFFFFE000  }
0x32: {  	_ =	swait.ge [sflag:s28], $0x2000  }
0x33: {  	[sflag:s28] =	ssyncset.done $0x0  }
0x34: {  	[sflag:s28] =	ssyncadd.s32 $0xFFFFE000  }
0x35: {  	_ =	swait.ge [sflag:s28], $0x2000  }
0x36: {  	[sflag:s28] =	ssyncset.done $0x0  }
0x37: {  	[sflag:s28] =	ssyncadd.s32 $0xFFFFE000  }
0x38: {  	_ =	swait.ge [sflag:s28], $0x2000  }
0x39: {  	[sflag:s28] =	ssyncset.done $0x0  }
0x3a: {  	[sflag:s28] =	ssyncadd.s32 $0xFFFFE000  }
0x3b: {  	_ =	swait.ge [sflag:s28], $0x2000  }
0x3c: {  	[sflag:s28] =	ssyncset.done $0x0  }
0x3d: {  	[sflag:s28] =	ssyncadd.s32 $0xFFFFE000  }
0x3e: {  	_ =	swait.ge [sflag:s28], $0x2000  }
0x3f: {  	[sflag:s28] =	ssyncset.done $0x0  }
0x40: {  	[sflag:s28] =	ssyncadd.s32 $0xFFFFE000  }
0x41: {  	_ =	swait.ge [sflag:s28], $0x2000  }
0x42: {  	[sflag:s28] =	ssyncset.done $0x0  }
0x43: {  	[sflag:s28] =	ssyncadd.s32 $0xFFFFE000  }
0x44: {  	_ =	swait.ge [sflag:s28], $0x2000  }
0x45: {  	[sflag:s28] =	ssyncset.done $0x0  }
0x46: {  	[sflag:s28] =	ssyncadd.s32 $0xFFFFE000  }
0x47: {  	[hbm4b:s6+s2] =	stream.linear.scatter [tilespmem:s9], [sflag:$0x2], $0x14000, $0x38;
	[tilespmem:$0x14500] =	vst v63  }
0x48: {  	s31 =	simm.s32 $0xA0;
	_ =	swait.ge [sflag:s7], $0x14000  }
0x49: {  	s30 =	sadd.s32 $0x2800, s6;
	s0 =	simm.s32 $0x140;
	[sflag:s7] =	ssyncset.done $0x0  }
.LBB2_2:
0x4a: {  	s4 =	sadd.s32 s31, s5  }
0x4b: {  	[sflag:s7] =	ssyncadd.s32 $0xFFFEC000;
	s31 =	smov.u32 s0;
	s1 =	sadd.s32 $0xA0, s0  }
0x4c: {  	[tilespmem:s2], [sflag:$0x2] =	stream.linear.gather [hbm4b:s4+s2], $0x500, $0x38;
	[tilespmem:$0x14500] =	vst v63  }
0x4d: {  	p0 =	sne.s32 s0, $0x280;
	_ =	swait.ge [sflag:s7], $0x500  }
0x4e: {  	[sflag:s7] =	ssyncset.done $0x0  }
0x4f: {  	[sflag:s7] =	ssyncadd.s32 $0xFFFFFB00  }
0x50: {  	[tilespmem:s9], [sflag:$0x1] =	stream.indirect.gather [hbm4b:s3+s8], $0x40, s2, s8, $0xb8;
	[tilespmem:$0x14500] =	vst v63  }
0x51: {  	_ = 	snop  }
0x52: {  	[tilespmem:s10], [sflag:$0x1] =	stream.indirect.gather [hbm4b:s3+s8], $0x40, s8, s8, $0xb8;
	[tilespmem:$0x14500] =	vst v63  }
0x53: {  	_ = 	snop  }
0x54: {  	[tilespmem:s12], [sflag:$0x1] =	stream.indirect.gather [hbm4b:s3+s8], $0x40, s11, s8, $0xb8;
	[tilespmem:$0x14500] =	vst v63  }
0x55: {  	_ = 	snop  }
0x56: {  	[tilespmem:s14], [sflag:$0x1] =	stream.indirect.gather [hbm4b:s3+s8], $0x40, s13, s8, $0xb8;
	[tilespmem:$0x14500] =	vst v63  }
0x57: {  	_ = 	snop  }
0x58: {  	[tilespmem:s16], [sflag:$0x1] =	stream.indirect.gather [hbm4b:s3+s8], $0x40, s15, s8, $0xb8;
	[tilespmem:$0x14500] =	vst v63  }
0x59: {  	_ = 	snop  }
0x5a: {  	[tilespmem:s18], [sflag:$0x1] =	stream.indirect.gather [hbm4b:s3+s8], $0x40, s17, s8, $0xb8;
	[tilespmem:$0x14500] =	vst v63  }
0x5b: {  	_ = 	snop  }
0x5c: {  	[tilespmem:s20], [sflag:$0x1] =	stream.indirect.gather [hbm4b:s3+s8], $0x40, s19, s8, $0xb8;
	[tilespmem:$0x14500] =	vst v63  }
0x5d: {  	_ = 	snop  }
0x5e: {  	[tilespmem:s22], [sflag:$0x1] =	stream.indirect.gather [hbm4b:s3+s8], $0x40, s21, s8, $0xb8;
	[tilespmem:$0x14500] =	vst v63  }
0x5f: {  	_ = 	snop  }
0x60: {  	[tilespmem:s24], [sflag:$0x1] =	stream.indirect.gather [hbm4b:s3+s8], $0x40, s23, s8, $0xb8;
	[tilespmem:$0x14500] =	vst v63  }
0x61: {  	_ = 	snop  }
0x62: {  	[tilespmem:s26], [sflag:$0x1] =	stream.indirect.gather [hbm4b:s3+s8], $0x40, s25, s8, $0xb8;
	[tilespmem:$0x14500] =	vst v63  }
0x63: {  	_ =	swait.ge [sflag:s28], $0x2000  }
0x64: {  	[sflag:s28] =	ssyncset.done $0x0  }
0x65: {  	[sflag:s28] =	ssyncadd.s32 $0xFFFFE000  }
0x66: {  	_ =	swait.ge [sflag:s28], $0x2000  }
0x67: {  	[sflag:s28] =	ssyncset.done $0x0  }
0x68: {  	[sflag:s28] =	ssyncadd.s32 $0xFFFFE000  }
0x69: {  	_ =	swait.ge [sflag:s28], $0x2000  }
0x6a: {  	[sflag:s28] =	ssyncset.done $0x0  }
0x6b: {  	[sflag:s28] =	ssyncadd.s32 $0xFFFFE000  }
0x6c: {  	_ =	swait.ge [sflag:s28], $0x2000  }
0x6d: {  	[sflag:s28] =	ssyncset.done $0x0  }
0x6e: {  	[sflag:s28] =	ssyncadd.s32 $0xFFFFE000  }
0x6f: {  	_ =	swait.ge [sflag:s28], $0x2000  }
0x70: {  	[sflag:s28] =	ssyncset.done $0x0  }
0x71: {  	[sflag:s28] =	ssyncadd.s32 $0xFFFFE000  }
0x72: {  	_ =	swait.ge [sflag:s28], $0x2000  }
0x73: {  	[sflag:s28] =	ssyncset.done $0x0  }
0x74: {  	[sflag:s28] =	ssyncadd.s32 $0xFFFFE000  }
0x75: {  	_ =	swait.ge [sflag:s28], $0x2000  }
0x76: {  	[sflag:s28] =	ssyncset.done $0x0  }
0x77: {  	[sflag:s28] =	ssyncadd.s32 $0xFFFFE000  }
0x78: {  	_ =	swait.ge [sflag:s28], $0x2000  }
0x79: {  	[sflag:s28] =	ssyncset.done $0x0  }
0x7a: {  	[sflag:s28] =	ssyncadd.s32 $0xFFFFE000  }
0x7b: {  	_ =	swait.ge [sflag:s28], $0x2000  }
0x7c: {  	[sflag:s28] =	ssyncset.done $0x0  }
0x7d: {  	[sflag:s28] =	ssyncadd.s32 $0xFFFFE000  }
0x7e: {  	_ =	swait.ge [sflag:s28], $0x2000  }
.Ltmp0:
0x7f: {  	[sflag:s28] =	ssyncset.done $0x0;
	(pc) =	sbr.rel @p0 .LBB2_2-.Ltmp0, $4  }
0x80: {  	[sflag:s28] =	ssyncadd.s32 $0xFFFFE000  }
0x81: {  	[hbm4b:s30+s2] =	stream.linear.scatter [tilespmem:s9], [sflag:$0x2], $0x14000, $0x38;
	[tilespmem:$0x14500] =	vst v63  }
0x82: {  	_ =	swait.ge [sflag:s7], $0x14000  }
0x83: {  	s0 =	smov.u32 s1;
	s30 =	sadd.s32 $0x2800, s30;
	[sflag:s7] =	ssyncset.done $0x0  }
0x84: {  	s0 =	sadd.s32 s31, s5;
	[sflag:s7] =	ssyncadd.s32 $0xFFFEC000  }
0x85: {  	[tilespmem:s2], [sflag:$0x2] =	stream.linear.gather [hbm4b:s0+s2], $0x500, $0x38;
	[tilespmem:$0x14500] =	vst v63  }
0x86: {  	_ =	swait.ge [sflag:s7], $0x500  }
0x87: {  	[sflag:s7] =	ssyncset.done $0x0  }
0x88: {  	[sflag:s7] =	ssyncadd.s32 $0xFFFFFB00  }
0x89: {  	[tilespmem:s9], [sflag:$0x1] =	stream.indirect.gather [hbm4b:s3+s8], $0x40, s2, s8, $0xb8;
	[tilespmem:$0x14500] =	vst v63  }
0x8a: {  	_ = 	snop  }
0x8b: {  	[tilespmem:s10], [sflag:$0x1] =	stream.indirect.gather [hbm4b:s3+s8], $0x40, s8, s8, $0xb8;
	[tilespmem:$0x14500] =	vst v63  }
0x8c: {  	_ = 	snop  }
0x8d: {  	[tilespmem:s12], [sflag:$0x1] =	stream.indirect.gather [hbm4b:s3+s8], $0x40, s11, s8, $0xb8;
	[tilespmem:$0x14500] =	vst v63  }
0x8e: {  	_ = 	snop  }
0x8f: {  	[tilespmem:s14], [sflag:$0x1] =	stream.indirect.gather [hbm4b:s3+s8], $0x40, s13, s8, $0xb8;
	[tilespmem:$0x14500] =	vst v63  }
0x90: {  	_ = 	snop  }
0x91: {  	[tilespmem:s16], [sflag:$0x1] =	stream.indirect.gather [hbm4b:s3+s8], $0x40, s15, s8, $0xb8;
	[tilespmem:$0x14500] =	vst v63  }
0x92: {  	_ = 	snop  }
0x93: {  	[tilespmem:s18], [sflag:$0x1] =	stream.indirect.gather [hbm4b:s3+s8], $0x40, s17, s8, $0xb8;
	[tilespmem:$0x14500] =	vst v63  }
0x94: {  	_ = 	snop  }
0x95: {  	[tilespmem:s20], [sflag:$0x1] =	stream.indirect.gather [hbm4b:s3+s8], $0x40, s19, s8, $0xb8;
	[tilespmem:$0x14500] =	vst v63  }
0x96: {  	_ = 	snop  }
0x97: {  	[tilespmem:s22], [sflag:$0x1] =	stream.indirect.gather [hbm4b:s3+s8], $0x40, s21, s8, $0xb8;
	[tilespmem:$0x14500] =	vst v63  }
0x98: {  	_ = 	snop  }
0x99: {  	[tilespmem:s24], [sflag:$0x1] =	stream.indirect.gather [hbm4b:s3+s8], $0x40, s23, s8, $0xb8;
	[tilespmem:$0x14500] =	vst v63  }
0x9a: {  	_ = 	snop  }
0x9b: {  	[tilespmem:s26], [sflag:$0x1] =	stream.indirect.gather [hbm4b:s3+s8], $0x40, s25, s8, $0xb8;
	[tilespmem:$0x14500] =	vst v63  }
0x9c: {  	_ =	swait.ge [sflag:s28], $0x2000  }
0x9d: {  	[sflag:s28] =	ssyncset.done $0x0  }
0x9e: {  	[sflag:s28] =	ssyncadd.s32 $0xFFFFE000  }
0x9f: {  	_ =	swait.ge [sflag:s28], $0x2000  }
0xa0: {  	[sflag:s28] =	ssyncset.done $0x0  }
0xa1: {  	[sflag:s28] =	ssyncadd.s32 $0xFFFFE000  }
0xa2: {  	_ =	swait.ge [sflag:s28], $0x2000  }
0xa3: {  	[sflag:s28] =	ssyncset.done $0x0  }
0xa4: {  	[sflag:s28] =	ssyncadd.s32 $0xFFFFE000  }
0xa5: {  	_ =	swait.ge [sflag:s28], $0x2000  }
0xa6: {  	[sflag:s28] =	ssyncset.done $0x0  }
0xa7: {  	[sflag:s28] =	ssyncadd.s32 $0xFFFFE000  }
0xa8: {  	_ =	swait.ge [sflag:s28], $0x2000  }
0xa9: {  	[sflag:s28] =	ssyncset.done $0x0  }
0xaa: {  	[sflag:s28] =	ssyncadd.s32 $0xFFFFE000  }
0xab: {  	_ =	swait.ge [sflag:s28], $0x2000  }
0xac: {  	[sflag:s28] =	ssyncset.done $0x0  }
0xad: {  	[sflag:s28] =	ssyncadd.s32 $0xFFFFE000  }
0xae: {  	_ =	swait.ge [sflag:s28], $0x2000  }
0xaf: {  	[sflag:s28] =	ssyncset.done $0x0  }
0xb0: {  	[sflag:s28] =	ssyncadd.s32 $0xFFFFE000  }
0xb1: {  	_ =	swait.ge [sflag:s28], $0x2000  }
0xb2: {  	[sflag:s28] =	ssyncset.done $0x0  }
0xb3: {  	[sflag:s28] =	ssyncadd.s32 $0xFFFFE000  }
0xb4: {  	_ =	swait.ge [sflag:s28], $0x2000  }
0xb5: {  	[sflag:s28] =	ssyncset.done $0x0  }
0xb6: {  	[sflag:s28] =	ssyncadd.s32 $0xFFFFE000  }
0xb7: {  	_ =	swait.ge [sflag:s28], $0x2000  }
0xb8: {  	[sflag:s28] =	ssyncset.done $0x0  }
0xb9: {  	[sflag:s28] =	ssyncadd.s32 $0xFFFFE000  }
0xba: {  	[hbm4b:s30+s2] =	stream.linear.scatter [tilespmem:s9], [sflag:$0x2], $0x14000, $0x38;
	[tilespmem:$0x14500] =	vst v63  }
0xbb: {  	_ =	swait.ge [sflag:s7], $0x14000  }
0xbc: {  	s29 =	sadd.s32 $0x1, s29;
	s31 =	rddreg [dreg:$0x3]  }
0xbd: {  	p0 =	sne.s32 s29, s31  }
.Ltmp1:
0xbe: {  	_ = 	snop;
	(pc) =	sbr.rel @p0 .LBB2_1-.Ltmp1, $3  }
0xbf: {  	_ =	sdelay $0x1  }
0xc0: {  	[sflag:s7] =	ssyncset.done $0x0  }
0xc1: {  	[sflag:s7] =	ssyncadd.s32 $0xFFFEC000  }
0xc2: {  	_ =	sfence.sel $0x180000  }
0xc3: {  	[bflag:$0x0] =	sbarrier.arrive $0xFFFF  }
0xc4: {  	_ =	strace $0x90000047  }
0xc5: {  	s0 =	stileid.u32;
	[bflag:$0x2] =	sbarrier.arrive $0xFFFF  }
0xc6: {  	p0 =	sne.s32 s0, $0x0;
	s0 =	rddreg [dreg:$0x2]  }
0xc7: {  	s0 =	sadd.s32 @!p0 $0x100000, s0  }
0xc8: {  	[sflag:s0] =	ssyncadd.tile.s32 @!p0 $0x1;
	_ =	shalt  }
.Lfunc_end2:
_tile_overlayer_lowered:
.L_overlay_start_2:
0xc9: {  	(tag) =	ssettag $0x2  }
0xca: {  	s0 =	rddreg [dreg:$0x0];
	s2 =	stileid.u32  }
0xcb: {  	s1 =	rddreg [dreg:$0x1];
	p0 =	sne.s32 s2, $0x0  }
0xcc: {  	s3 =	rddreg [dreg:$0x2];
	[bflag:$0x3] =	sbarrier.arrive $0xFFFF;
	s2 =	simm.s32 @!p0 $0x1C02  }
0xcd: {  	[timem:s3], [sflag:s2] =	dma.local @!p0 [hbm:s0], s1  }
0xce: {  	s0 =	simm.s32 @!p0 $0x2  }
0xcf: {  	_ =	swait.ge @!p0 [sflag:s0], s1  }
0xd0: {  	s1 =	ssub.s32 @!p0 $0x0, s1;
	[sflag:s0] =	ssyncset.done @!p0 $0x0  }
0xd1: {  	[sflag:s0] =	ssyncadd.s32 @!p0 s1  }
0xd2: {  	[bflag:$0x3] =	sbarrier.arrive $0xFFFF  }
0xd3: {  	_ =	shalt  }

</sc_bundles>
